<compile_context>
chip_gen: v7x
topology: tpu7x:2x2x1
jax: 0.10.2.dev20260603
libtpu: 0.0.44.dev20260713+nightly
codegen_flags: <defaults>
</compile_context>

<pallas_src>
import functools

import jax
import jax.numpy as jnp
from jax import lax
from jax.experimental import pallas as pl
from jax.experimental.pallas import tpu as pltpu
from jax.experimental.pallas import tpu_sc as plsc

P = 0.05
_LANES = 16
_NCORES = 1
_NSUB = 16
_NTILES = _NCORES * _NSUB


def _drop16(n):
    k1 = jnp.uint32(0)
    k2 = jnp.uint32(42)
    ks0, ks1, ks2 = k1, k2, k1 ^ k2 ^ jnp.uint32(0x1BD11BDA)
    rots = ((13, 15, 26, 6), (17, 29, 16, 24))
    kseq = ((ks1, ks2), (ks2, ks0), (ks0, ks1), (ks1, ks2), (ks2, ks0))
    x0 = jnp.zeros((16,), jnp.uint32) + ks0
    x1 = n + ks1
    for i in range(5):
        for r in rots[i % 2]:
            x0 = x0 + x1
            x1 = (x1 << jnp.uint32(r)) | (x1 >> jnp.uint32(32 - r))
            x1 = x0 ^ x1
        ka, kb = kseq[i]
        x0 = x0 + ka
        x1 = x1 + kb + jnp.uint32(i + 1)
    bits = x0 ^ x1
    return (bits >> jnp.uint32(9)) < jnp.uint32(419431)


@functools.partial(jax.jit, static_argnames=("n", "tpw"))
def _node_drop_masks(m, *, n, tpw):

    mesh = plsc.VectorSubcoreMesh(
        core_axis_name="c", subcore_axis_name="s", num_cores=_NCORES
    )

    @functools.partial(
        pl.kernel,
        mesh=mesh,
        out_type=jax.ShapeDtypeStruct((3 * n,), jnp.int32),
        scratch_types=[pltpu.VMEM((3 * tpw,), jnp.int32)],
    )
    def body(m_hbm, o_hbm, buf):
        wid = lax.axis_index("s") * _NCORES + lax.axis_index("c")
        base = pl.multiple_of(jnp.minimum(wid * tpw, n - tpw), 8)
        for k in range(3):
            pltpu.sync_copy(
                m_hbm.at[pl.ds(k * n + base, tpw)], buf.at[pl.ds(k * tpw, tpw)]
            )
        zero = jnp.zeros((16,), jnp.int32)

        def chunk(c, carry):
            off = c * _LANES
            nvec = (base + off).astype(jnp.uint32) + lax.iota(jnp.uint32, 16)
            drop = _drop16(nvec)
            for k in range(3):
                sl = pl.ds(k * tpw + off, _LANES)
                buf[sl] = jnp.where(drop, zero, buf[sl])
            return carry

        lax.fori_loop(0, tpw // _LANES, chunk, 0)
        for k in range(3):
            pltpu.sync_copy(
                buf.at[pl.ds(k * tpw, tpw)], o_hbm.at[pl.ds(k * n + base, tpw)]
            )

    return body(m)


def kernel(x, edge_index, y, train_mask, test_mask, val_mask):
    n = train_mask.shape[0]
    chunk = _NTILES * _LANES
    tpw = (-(-n // chunk)) * _LANES
    t32, te32, v32 = lax.optimization_barrier(
        (
            train_mask.astype(jnp.int32),
            test_mask.astype(jnp.int32),
            val_mask.astype(jnp.int32),
        )
    )
    m = jnp.concatenate([t32, te32, v32])
    out = _node_drop_masks(m, n=n, tpw=tpw).astype(jnp.bool_)
    z = lax.optimization_barrier(jnp.int32(0))
    x_out = lax.bitcast_convert_type(
        lax.bitcast_convert_type(x, jnp.int32) ^ z, jnp.float32
    )
    e_out = edge_index ^ z.astype(edge_index.dtype)
    return (x_out, e_out, y, out[0:n], out[2 * n:3 * n], out[n:2 * n])

# --- scband reference (transcript-rebuilt; emitter-appended) ---
"""Pipeline reference for scband-node-drop-75788992905341 (READ-ONLY COPY).

The authoritative reference and input builder live on the scoring server;
editing this copy changes nothing except your own understanding.
"""

import jax, jax.numpy as jnp
import numpy as np

N = 10000
E = 320000
D = 128
P = 0.05


def setup_inputs(seed: int = 0) -> dict:
    key = jax.random.key(seed)
    k1, k2, k3, k4, k5, k6 = jax.random.split(key, 6)
    x = jax.random.normal(k1, (N, D), dtype=jnp.float32)
    edge_index = jax.random.randint(k2, (2, E), 0, N, dtype=jnp.int64)
    y = jax.random.randint(k3, (N,), 0, 10, dtype=jnp.int64)
    train_mask = jax.random.randint(k4, (N,), 0, 2).astype(jnp.bool_)
    test_mask = jax.random.randint(k5, (N,), 0, 2).astype(jnp.bool_)
    val_mask = jax.random.randint(k6, (N,), 0, 2).astype(jnp.bool_)
    return {
        "x": x,
        "edge_index": edge_index,
        "y": y,
        "train_mask": train_mask,
        "test_mask": test_mask,
        "val_mask": val_mask,
    }


def reference(x, edge_index, y, train_mask, test_mask, val_mask):
    # NodeDrop.forward: draw uniform random per node; zero out train/test/val
    # mask entries (scatter-overwrite) where idx < p. x, y, edge_index pass through.
    key = jax.random.key(42)
    idx = jax.random.uniform(key, (x.shape[0],), dtype=jnp.float32)
    drop = idx < P
    # scatter-overwrite masks to 0 at dropped node positions
    new_train_mask = jnp.where(drop, jnp.zeros_like(train_mask), train_mask)
    new_test_mask = jnp.where(drop, jnp.zeros_like(test_mask), test_mask)
    new_val_mask = jnp.where(drop, jnp.zeros_like(val_mask), val_mask)
    return (x, edge_index, y, new_train_mask, new_val_mask, new_test_mask)

if __name__ == "__main__":
    import jax
    _d = setup_inputs()
    print(jax.jit(kernel)(*tuple(_d.values())))

</pallas_src>

<mosaic_0001>
#map = affine_map<(d0, d1) -> (0)>
module attributes {stable_mosaic.version = 14 : i64} {
  func.func @body(%arg0: i32, %arg1: i32, %arg2: memref<30000xi32, #tpu.memory_space<hbm>>, %arg3: memref<30000xi32, #tpu.memory_space<hbm>>, %arg4: memref<1920xi32, #tpu.memory_space<vmem>>) attributes {dimension_semantics = [#tpu.dimension_semantics<core_parallel>, #tpu.dimension_semantics<subcore_parallel>], iteration_bounds = array<i64: 1, 16>, scalar_prefetch = 0 : i64, scratch_operands = 1 : i64, tpu.core_type = #tpu.core_type<sc_vector_subcore>, window_params = [{transform_indices = #map}, {transform_indices = #map}]} {
    %mul3A = arith.constant 1 : i32
    %mul3A_0 = arith.muli %arg1, %mul3A : i32
    %add3A = arith.addi %mul3A_0, %arg0 : i32
    %mul3A_1 = arith.constant 640 : i32
    %mul3A_2 = arith.muli %add3A, %mul3A_1 : i32
    %min3A = arith.constant 9360 : i32
    %min3A_3 = arith.minsi %mul3A_2, %min3A : i32
    %multiple_of3A = tpu.assume_multiple %min3A_3, 8 : i32
    %add3A_4 = arith.constant 0 : i32
    %add3A_5 = arith.addi %add3A_4, %multiple_of3A : i32
    "tpu.region"() ({
      %run_scoped3A = tpu.sem_alloc : memref<!tpu.dma_semaphore, #tpu.memory_space<semaphore_mem>>
      %dma_start3A = arith.constant 0 : i32
      %dma_start3A_22 = tpu.memref_slice %arg4[%dma_start3A] : memref<1920xi32, #tpu.memory_space<vmem>> -> memref<640xi32, #tpu.memory_space<vmem>>
      %dma_start3A_23 = tpu.memref_slice %arg2[%add3A_5] : memref<30000xi32, #tpu.memory_space<hbm>> -> memref<640xi32, #tpu.memory_space<hbm>>
      %dma_start3A_24 = arith.constant 0 : i32
      %dma_start3A_25 = tpu.memref_slice %arg4[%dma_start3A_24] : memref<1920xi32, #tpu.memory_space<vmem>> -> memref<640xi32, #tpu.memory_space<vmem>>
      %dma_start3A_26 = tpu.memref_slice %arg2[%add3A_5] : memref<30000xi32, #tpu.memory_space<hbm>> -> memref<640xi32, #tpu.memory_space<hbm>>
      tpu.enqueue_dma source(%dma_start3A_26 : memref<640xi32, #tpu.memory_space<hbm>>) target(%dma_start3A_25 : memref<640xi32, #tpu.memory_space<vmem>>) target_semaphore(%run_scoped3A : memref<!tpu.dma_semaphore, #tpu.memory_space<semaphore_mem>>)
      %dma_wait3A = arith.constant 0 : i32
      %dma_wait3A_27 = tpu.memref_slice %arg4[%dma_wait3A] : memref<1920xi32, #tpu.memory_space<vmem>> -> memref<640xi32, #tpu.memory_space<vmem>>
      %dma_wait3A_28 = tpu.memref_slice %arg2[%add3A_5] : memref<30000xi32, #tpu.memory_space<hbm>> -> memref<640xi32, #tpu.memory_space<hbm>>
      %dma_wait3A_29 = arith.constant 0 : i32
      %dma_wait3A_30 = tpu.memref_slice %arg4[%dma_wait3A_29] : memref<1920xi32, #tpu.memory_space<vmem>> -> memref<640xi32, #tpu.memory_space<vmem>>
      %dma_wait3A_31 = tpu.memref_slice %arg2[%add3A_5] : memref<30000xi32, #tpu.memory_space<hbm>> -> memref<640xi32, #tpu.memory_space<hbm>>
      tpu.wait_dma2 semaphore(%run_scoped3A : memref<!tpu.dma_semaphore, #tpu.memory_space<semaphore_mem>>) src(%dma_wait3A_31 : memref<640xi32, #tpu.memory_space<hbm>>) dst(%dma_wait3A_30 : memref<640xi32, #tpu.memory_space<vmem>>)
      tpu.yield
    }) : () -> ()
    %add3A_6 = arith.constant 10000 : i32
    %add3A_7 = arith.addi %add3A_6, %multiple_of3A : i32
    "tpu.region"() ({
      %run_scoped3A = tpu.sem_alloc : memref<!tpu.dma_semaphore, #tpu.memory_space<semaphore_mem>>
      %dma_start3A = arith.constant 640 : i32
      %dma_start3A_22 = tpu.memref_slice %arg4[%dma_start3A] : memref<1920xi32, #tpu.memory_space<vmem>> -> memref<640xi32, #tpu.memory_space<vmem>>
      %dma_start3A_23 = tpu.memref_slice %arg2[%add3A_7] : memref<30000xi32, #tpu.memory_space<hbm>> -> memref<640xi32, #tpu.memory_space<hbm>>
      %dma_start3A_24 = arith.constant 640 : i32
      %dma_start3A_25 = tpu.memref_slice %arg4[%dma_start3A_24] : memref<1920xi32, #tpu.memory_space<vmem>> -> memref<640xi32, #tpu.memory_space<vmem>>
      %dma_start3A_26 = tpu.memref_slice %arg2[%add3A_7] : memref<30000xi32, #tpu.memory_space<hbm>> -> memref<640xi32, #tpu.memory_space<hbm>>
      tpu.enqueue_dma source(%dma_start3A_26 : memref<640xi32, #tpu.memory_space<hbm>>) target(%dma_start3A_25 : memref<640xi32, #tpu.memory_space<vmem>>) target_semaphore(%run_scoped3A : memref<!tpu.dma_semaphore, #tpu.memory_space<semaphore_mem>>)
      %dma_wait3A = arith.constant 640 : i32
      %dma_wait3A_27 = tpu.memref_slice %arg4[%dma_wait3A] : memref<1920xi32, #tpu.memory_space<vmem>> -> memref<640xi32, #tpu.memory_space<vmem>>
      %dma_wait3A_28 = tpu.memref_slice %arg2[%add3A_7] : memref<30000xi32, #tpu.memory_space<hbm>> -> memref<640xi32, #tpu.memory_space<hbm>>
      %dma_wait3A_29 = arith.constant 640 : i32
      %dma_wait3A_30 = tpu.memref_slice %arg4[%dma_wait3A_29] : memref<1920xi32, #tpu.memory_space<vmem>> -> memref<640xi32, #tpu.memory_space<vmem>>
      %dma_wait3A_31 = tpu.memref_slice %arg2[%add3A_7] : memref<30000xi32, #tpu.memory_space<hbm>> -> memref<640xi32, #tpu.memory_space<hbm>>
      tpu.wait_dma2 semaphore(%run_scoped3A : memref<!tpu.dma_semaphore, #tpu.memory_space<semaphore_mem>>) src(%dma_wait3A_31 : memref<640xi32, #tpu.memory_space<hbm>>) dst(%dma_wait3A_30 : memref<640xi32, #tpu.memory_space<vmem>>)
      tpu.yield
    }) : () -> ()
    %add3A_8 = arith.constant 20000 : i32
    %add3A_9 = arith.addi %add3A_8, %multiple_of3A : i32
    "tpu.region"() ({
      %run_scoped3A = tpu.sem_alloc : memref<!tpu.dma_semaphore, #tpu.memory_space<semaphore_mem>>
      %dma_start3A = arith.constant 1280 : i32
      %dma_start3A_22 = tpu.memref_slice %arg4[%dma_start3A] : memref<1920xi32, #tpu.memory_space<vmem>> -> memref<640xi32, #tpu.memory_space<vmem>>
      %dma_start3A_23 = tpu.memref_slice %arg2[%add3A_9] : memref<30000xi32, #tpu.memory_space<hbm>> -> memref<640xi32, #tpu.memory_space<hbm>>
      %dma_start3A_24 = arith.constant 1280 : i32
      %dma_start3A_25 = tpu.memref_slice %arg4[%dma_start3A_24] : memref<1920xi32, #tpu.memory_space<vmem>> -> memref<640xi32, #tpu.memory_space<vmem>>
      %dma_start3A_26 = tpu.memref_slice %arg2[%add3A_9] : memref<30000xi32, #tpu.memory_space<hbm>> -> memref<640xi32, #tpu.memory_space<hbm>>
      tpu.enqueue_dma source(%dma_start3A_26 : memref<640xi32, #tpu.memory_space<hbm>>) target(%dma_start3A_25 : memref<640xi32, #tpu.memory_space<vmem>>) target_semaphore(%run_scoped3A : memref<!tpu.dma_semaphore, #tpu.memory_space<semaphore_mem>>)
      %dma_wait3A = arith.constant 1280 : i32
      %dma_wait3A_27 = tpu.memref_slice %arg4[%dma_wait3A] : memref<1920xi32, #tpu.memory_space<vmem>> -> memref<640xi32, #tpu.memory_space<vmem>>
      %dma_wait3A_28 = tpu.memref_slice %arg2[%add3A_9] : memref<30000xi32, #tpu.memory_space<hbm>> -> memref<640xi32, #tpu.memory_space<hbm>>
      %dma_wait3A_29 = arith.constant 1280 : i32
      %dma_wait3A_30 = tpu.memref_slice %arg4[%dma_wait3A_29] : memref<1920xi32, #tpu.memory_space<vmem>> -> memref<640xi32, #tpu.memory_space<vmem>>
      %dma_wait3A_31 = tpu.memref_slice %arg2[%add3A_9] : memref<30000xi32, #tpu.memory_space<hbm>> -> memref<640xi32, #tpu.memory_space<hbm>>
      tpu.wait_dma2 semaphore(%run_scoped3A : memref<!tpu.dma_semaphore, #tpu.memory_space<semaphore_mem>>) src(%dma_wait3A_31 : memref<640xi32, #tpu.memory_space<hbm>>) dst(%dma_wait3A_30 : memref<640xi32, #tpu.memory_space<vmem>>)
      tpu.yield
    }) : () -> ()
    %broadcast_in_dim3A = arith.constant 0 : i32
    %broadcast_in_dim3A_10 = vector.broadcast %broadcast_in_dim3A : i32 to vector<16xi32>
    %scan3A = arith.constant 0 : i32
    %scan3A_11 = arith.constant 0 : i32
    %scan3A_12 = arith.constant 40 : i32
    %scan3A_13 = arith.addi %scan3A_11, %scan3A_12 : i32
    %scan3A_14 = arith.constant 1 : i32
    scf.for %scan3A_22 = %scan3A_11 to %scan3A_13 step %scan3A_14  : i32 {
      %mul3A_23 = arith.constant 16 : i32
      %mul3A_24 = arith.muli %scan3A_22, %mul3A_23 : i32
      %add3A_25 = arith.addi %multiple_of3A, %mul3A_24 : i32
      %iota3A = tpu.iota {dimensions = array<i32: 0>} : vector<16xi32>
      %add3A_26 = vector.broadcast %add3A_25 : i32 to vector<16xi32>
      %add3A_27 = arith.addi %add3A_26, %iota3A : vector<16xi32>
      %xor3A = arith.constant 0 : i32
      %xor3A_28 = arith.constant 42 : i32
      %xor3A_29 = arith.xori %xor3A, %xor3A_28 : i32
      %xor3A_30 = arith.constant 466688986 : i32
      %xor3A_31 = arith.xori %xor3A_29, %xor3A_30 : i32
      %broadcast_in_dim3A_32 = arith.constant 0 : i32
      %broadcast_in_dim3A_33 = vector.broadcast %broadcast_in_dim3A_32 : i32 to vector<16xi32>
      %add3A_34 = arith.constant 0 : i32
      %add3A_35 = vector.broadcast %add3A_34 : i32 to vector<16xi32>
      %add3A_36 = arith.addi %broadcast_in_dim3A_33, %add3A_35 : vector<16xi32>
      %add3A_37 = arith.constant 42 : i32
      %add3A_38 = vector.broadcast %add3A_37 : i32 to vector<16xi32>
      %add3A_39 = arith.addi %add3A_27, %add3A_38 : vector<16xi32>
      %add3A_40 = arith.addi %add3A_36, %add3A_39 : vector<16xi32>
      %shift_left3A = arith.constant 13 : i32
      %shift_left3A_41 = vector.broadcast %shift_left3A : i32 to vector<16xi32>
      %shift_left3A_42 = arith.shli %add3A_39, %shift_left3A_41 : vector<16xi32>
      %shift_right_logical3A = arith.constant 19 : i32
      %shift_right_logical3A_43 = vector.broadcast %shift_right_logical3A : i32 to vector<16xi32>
      %shift_right_logical3A_44 = arith.shrui %add3A_39, %shift_right_logical3A_43 : vector<16xi32>
      %or3A = arith.ori %shift_left3A_42, %shift_right_logical3A_44 : vector<16xi32>
      %xor3A_45 = arith.xori %add3A_40, %or3A : vector<16xi32>
      %add3A_46 = arith.addi %add3A_40, %xor3A_45 : vector<16xi32>
      %shift_left3A_47 = arith.constant 15 : i32
      %shift_left3A_48 = vector.broadcast %shift_left3A_47 : i32 to vector<16xi32>
      %shift_left3A_49 = arith.shli %xor3A_45, %shift_left3A_48 : vector<16xi32>
      %shift_right_logical3A_50 = arith.constant 17 : i32
      %shift_right_logical3A_51 = vector.broadcast %shift_right_logical3A_50 : i32 to vector<16xi32>
      %shift_right_logical3A_52 = arith.shrui %xor3A_45, %shift_right_logical3A_51 : vector<16xi32>
      %or3A_53 = arith.ori %shift_left3A_49, %shift_right_logical3A_52 : vector<16xi32>
      %xor3A_54 = arith.xori %add3A_46, %or3A_53 : vector<16xi32>
      %add3A_55 = arith.addi %add3A_46, %xor3A_54 : vector<16xi32>
      %shift_left3A_56 = arith.constant 26 : i32
      %shift_left3A_57 = vector.broadcast %shift_left3A_56 : i32 to vector<16xi32>
      %shift_left3A_58 = arith.shli %xor3A_54, %shift_left3A_57 : vector<16xi32>
      %shift_right_logical3A_59 = arith.constant 6 : i32
      %shift_right_logical3A_60 = vector.broadcast %shift_right_logical3A_59 : i32 to vector<16xi32>
      %shift_right_logical3A_61 = arith.shrui %xor3A_54, %shift_right_logical3A_60 : vector<16xi32>
      %or3A_62 = arith.ori %shift_left3A_58, %shift_right_logical3A_61 : vector<16xi32>
      %xor3A_63 = arith.xori %add3A_55, %or3A_62 : vector<16xi32>
      %add3A_64 = arith.addi %add3A_55, %xor3A_63 : vector<16xi32>
      %shift_left3A_65 = arith.constant 6 : i32
      %shift_left3A_66 = vector.broadcast %shift_left3A_65 : i32 to vector<16xi32>
      %shift_left3A_67 = arith.shli %xor3A_63, %shift_left3A_66 : vector<16xi32>
      %shift_right_logical3A_68 = arith.constant 26 : i32
      %shift_right_logical3A_69 = vector.broadcast %shift_right_logical3A_68 : i32 to vector<16xi32>
      %shift_right_logical3A_70 = arith.shrui %xor3A_63, %shift_right_logical3A_69 : vector<16xi32>
      %or3A_71 = arith.ori %shift_left3A_67, %shift_right_logical3A_70 : vector<16xi32>
      %xor3A_72 = arith.xori %add3A_64, %or3A_71 : vector<16xi32>
      %add3A_73 = arith.constant 42 : i32
      %add3A_74 = vector.broadcast %add3A_73 : i32 to vector<16xi32>
      %add3A_75 = arith.addi %add3A_64, %add3A_74 : vector<16xi32>
      %add3A_76 = vector.broadcast %xor3A_31 : i32 to vector<16xi32>
      %add3A_77 = arith.addi %xor3A_72, %add3A_76 : vector<16xi32>
      %add3A_78 = arith.constant 1 : i32
      %add3A_79 = vector.broadcast %add3A_78 : i32 to vector<16xi32>
      %add3A_80 = arith.addi %add3A_77, %add3A_79 : vector<16xi32>
      %add3A_81 = arith.addi %add3A_75, %add3A_80 : vector<16xi32>
      %shift_left3A_82 = arith.constant 17 : i32
      %shift_left3A_83 = vector.broadcast %shift_left3A_82 : i32 to vector<16xi32>
      %shift_left3A_84 = arith.shli %add3A_80, %shift_left3A_83 : vector<16xi32>
      %shift_right_logical3A_85 = arith.constant 15 : i32
      %shift_right_logical3A_86 = vector.broadcast %shift_right_logical3A_85 : i32 to vector<16xi32>
      %shift_right_logical3A_87 = arith.shrui %add3A_80, %shift_right_logical3A_86 : vector<16xi32>
      %or3A_88 = arith.ori %shift_left3A_84, %shift_right_logical3A_87 : vector<16xi32>
      %xor3A_89 = arith.xori %add3A_81, %or3A_88 : vector<16xi32>
      %add3A_90 = arith.addi %add3A_81, %xor3A_89 : vector<16xi32>
      %shift_left3A_91 = arith.constant 29 : i32
      %shift_left3A_92 = vector.broadcast %shift_left3A_91 : i32 to vector<16xi32>
      %shift_left3A_93 = arith.shli %xor3A_89, %shift_left3A_92 : vector<16xi32>
      %shift_right_logical3A_94 = arith.constant 3 : i32
      %shift_right_logical3A_95 = vector.broadcast %shift_right_logical3A_94 : i32 to vector<16xi32>
      %shift_right_logical3A_96 = arith.shrui %xor3A_89, %shift_right_logical3A_95 : vector<16xi32>
      %or3A_97 = arith.ori %shift_left3A_93, %shift_right_logical3A_96 : vector<16xi32>
      %xor3A_98 = arith.xori %add3A_90, %or3A_97 : vector<16xi32>
      %add3A_99 = arith.addi %add3A_90, %xor3A_98 : vector<16xi32>
      %shift_left3A_100 = arith.constant 16 : i32
      %shift_left3A_101 = vector.broadcast %shift_left3A_100 : i32 to vector<16xi32>
      %shift_left3A_102 = arith.shli %xor3A_98, %shift_left3A_101 : vector<16xi32>
      %shift_right_logical3A_103 = arith.constant 16 : i32
      %shift_right_logical3A_104 = vector.broadcast %shift_right_logical3A_103 : i32 to vector<16xi32>
      %shift_right_logical3A_105 = arith.shrui %xor3A_98, %shift_right_logical3A_104 : vector<16xi32>
      %or3A_106 = arith.ori %shift_left3A_102, %shift_right_logical3A_105 : vector<16xi32>
      %xor3A_107 = arith.xori %add3A_99, %or3A_106 : vector<16xi32>
      %add3A_108 = arith.addi %add3A_99, %xor3A_107 : vector<16xi32>
      %shift_left3A_109 = arith.constant 24 : i32
      %shift_left3A_110 = vector.broadcast %shift_left3A_109 : i32 to vector<16xi32>
      %shift_left3A_111 = arith.shli %xor3A_107, %shift_left3A_110 : vector<16xi32>
      %shift_right_logical3A_112 = arith.constant 8 : i32
      %shift_right_logical3A_113 = vector.broadcast %shift_right_logical3A_112 : i32 to vector<16xi32>
      %shift_right_logical3A_114 = arith.shrui %xor3A_107, %shift_right_logical3A_113 : vector<16xi32>
      %or3A_115 = arith.ori %shift_left3A_111, %shift_right_logical3A_114 : vector<16xi32>
      %xor3A_116 = arith.xori %add3A_108, %or3A_115 : vector<16xi32>
      %add3A_117 = vector.broadcast %xor3A_31 : i32 to vector<16xi32>
      %add3A_118 = arith.addi %add3A_108, %add3A_117 : vector<16xi32>
      %add3A_119 = arith.constant 0 : i32
      %add3A_120 = vector.broadcast %add3A_119 : i32 to vector<16xi32>
      %add3A_121 = arith.addi %xor3A_116, %add3A_120 : vector<16xi32>
      %add3A_122 = arith.constant 2 : i32
      %add3A_123 = vector.broadcast %add3A_122 : i32 to vector<16xi32>
      %add3A_124 = arith.addi %add3A_121, %add3A_123 : vector<16xi32>
      %add3A_125 = arith.addi %add3A_118, %add3A_124 : vector<16xi32>
      %shift_left3A_126 = arith.constant 13 : i32
      %shift_left3A_127 = vector.broadcast %shift_left3A_126 : i32 to vector<16xi32>
      %shift_left3A_128 = arith.shli %add3A_124, %shift_left3A_127 : vector<16xi32>
      %shift_right_logical3A_129 = arith.constant 19 : i32
      %shift_right_logical3A_130 = vector.broadcast %shift_right_logical3A_129 : i32 to vector<16xi32>
      %shift_right_logical3A_131 = arith.shrui %add3A_124, %shift_right_logical3A_130 : vector<16xi32>
      %or3A_132 = arith.ori %shift_left3A_128, %shift_right_logical3A_131 : vector<16xi32>
      %xor3A_133 = arith.xori %add3A_125, %or3A_132 : vector<16xi32>
      %add3A_134 = arith.addi %add3A_125, %xor3A_133 : vector<16xi32>
      %shift_left3A_135 = arith.constant 15 : i32
      %shift_left3A_136 = vector.broadcast %shift_left3A_135 : i32 to vector<16xi32>
      %shift_left3A_137 = arith.shli %xor3A_133, %shift_left3A_136 : vector<16xi32>
      %shift_right_logical3A_138 = arith.constant 17 : i32
      %shift_right_logical3A_139 = vector.broadcast %shift_right_logical3A_138 : i32 to vector<16xi32>
      %shift_right_logical3A_140 = arith.shrui %xor3A_133, %shift_right_logical3A_139 : vector<16xi32>
      %or3A_141 = arith.ori %shift_left3A_137, %shift_right_logical3A_140 : vector<16xi32>
      %xor3A_142 = arith.xori %add3A_134, %or3A_141 : vector<16xi32>
      %add3A_143 = arith.addi %add3A_134, %xor3A_142 : vector<16xi32>
      %shift_left3A_144 = arith.constant 26 : i32
      %shift_left3A_145 = vector.broadcast %shift_left3A_144 : i32 to vector<16xi32>
      %shift_left3A_146 = arith.shli %xor3A_142, %shift_left3A_145 : vector<16xi32>
      %shift_right_logical3A_147 = arith.constant 6 : i32
      %shift_right_logical3A_148 = vector.broadcast %shift_right_logical3A_147 : i32 to vector<16xi32>
      %shift_right_logical3A_149 = arith.shrui %xor3A_142, %shift_right_logical3A_148 : vector<16xi32>
      %or3A_150 = arith.ori %shift_left3A_146, %shift_right_logical3A_149 : vector<16xi32>
      %xor3A_151 = arith.xori %add3A_143, %or3A_150 : vector<16xi32>
      %add3A_152 = arith.addi %add3A_143, %xor3A_151 : vector<16xi32>
      %shift_left3A_153 = arith.constant 6 : i32
      %shift_left3A_154 = vector.broadcast %shift_left3A_153 : i32 to vector<16xi32>
      %shift_left3A_155 = arith.shli %xor3A_151, %shift_left3A_154 : vector<16xi32>
      %shift_right_logical3A_156 = arith.constant 26 : i32
      %shift_right_logical3A_157 = vector.broadcast %shift_right_logical3A_156 : i32 to vector<16xi32>
      %shift_right_logical3A_158 = arith.shrui %xor3A_151, %shift_right_logical3A_157 : vector<16xi32>
      %or3A_159 = arith.ori %shift_left3A_155, %shift_right_logical3A_158 : vector<16xi32>
      %xor3A_160 = arith.xori %add3A_152, %or3A_159 : vector<16xi32>
      %add3A_161 = arith.constant 0 : i32
      %add3A_162 = vector.broadcast %add3A_161 : i32 to vector<16xi32>
      %add3A_163 = arith.addi %add3A_152, %add3A_162 : vector<16xi32>
      %add3A_164 = arith.constant 42 : i32
      %add3A_165 = vector.broadcast %add3A_164 : i32 to vector<16xi32>
      %add3A_166 = arith.addi %xor3A_160, %add3A_165 : vector<16xi32>
      %add3A_167 = arith.constant 3 : i32
      %add3A_168 = vector.broadcast %add3A_167 : i32 to vector<16xi32>
      %add3A_169 = arith.addi %add3A_166, %add3A_168 : vector<16xi32>
      %add3A_170 = arith.addi %add3A_163, %add3A_169 : vector<16xi32>
      %shift_left3A_171 = arith.constant 17 : i32
      %shift_left3A_172 = vector.broadcast %shift_left3A_171 : i32 to vector<16xi32>
      %shift_left3A_173 = arith.shli %add3A_169, %shift_left3A_172 : vector<16xi32>
      %shift_right_logical3A_174 = arith.constant 15 : i32
      %shift_right_logical3A_175 = vector.broadcast %shift_right_logical3A_174 : i32 to vector<16xi32>
      %shift_right_logical3A_176 = arith.shrui %add3A_169, %shift_right_logical3A_175 : vector<16xi32>
      %or3A_177 = arith.ori %shift_left3A_173, %shift_right_logical3A_176 : vector<16xi32>
      %xor3A_178 = arith.xori %add3A_170, %or3A_177 : vector<16xi32>
      %add3A_179 = arith.addi %add3A_170, %xor3A_178 : vector<16xi32>
      %shift_left3A_180 = arith.constant 29 : i32
      %shift_left3A_181 = vector.broadcast %shift_left3A_180 : i32 to vector<16xi32>
      %shift_left3A_182 = arith.shli %xor3A_178, %shift_left3A_181 : vector<16xi32>
      %shift_right_logical3A_183 = arith.constant 3 : i32
      %shift_right_logical3A_184 = vector.broadcast %shift_right_logical3A_183 : i32 to vector<16xi32>
      %shift_right_logical3A_185 = arith.shrui %xor3A_178, %shift_right_logical3A_184 : vector<16xi32>
      %or3A_186 = arith.ori %shift_left3A_182, %shift_right_logical3A_185 : vector<16xi32>
      %xor3A_187 = arith.xori %add3A_179, %or3A_186 : vector<16xi32>
      %add3A_188 = arith.addi %add3A_179, %xor3A_187 : vector<16xi32>
      %shift_left3A_189 = arith.constant 16 : i32
      %shift_left3A_190 = vector.broadcast %shift_left3A_189 : i32 to vector<16xi32>
      %shift_left3A_191 = arith.shli %xor3A_187, %shift_left3A_190 : vector<16xi32>
      %shift_right_logical3A_192 = arith.constant 16 : i32
      %shift_right_logical3A_193 = vector.broadcast %shift_right_logical3A_192 : i32 to vector<16xi32>
      %shift_right_logical3A_194 = arith.shrui %xor3A_187, %shift_right_logical3A_193 : vector<16xi32>
      %or3A_195 = arith.ori %shift_left3A_191, %shift_right_logical3A_194 : vector<16xi32>
      %xor3A_196 = arith.xori %add3A_188, %or3A_195 : vector<16xi32>
      %add3A_197 = arith.addi %add3A_188, %xor3A_196 : vector<16xi32>
      %shift_left3A_198 = arith.constant 24 : i32
      %shift_left3A_199 = vector.broadcast %shift_left3A_198 : i32 to vector<16xi32>
      %shift_left3A_200 = arith.shli %xor3A_196, %shift_left3A_199 : vector<16xi32>
      %shift_right_logical3A_201 = arith.constant 8 : i32
      %shift_right_logical3A_202 = vector.broadcast %shift_right_logical3A_201 : i32 to vector<16xi32>
      %shift_right_logical3A_203 = arith.shrui %xor3A_196, %shift_right_logical3A_202 : vector<16xi32>
      %or3A_204 = arith.ori %shift_left3A_200, %shift_right_logical3A_203 : vector<16xi32>
      %xor3A_205 = arith.xori %add3A_197, %or3A_204 : vector<16xi32>
      %add3A_206 = arith.constant 42 : i32
      %add3A_207 = vector.broadcast %add3A_206 : i32 to vector<16xi32>
      %add3A_208 = arith.addi %add3A_197, %add3A_207 : vector<16xi32>
      %add3A_209 = vector.broadcast %xor3A_31 : i32 to vector<16xi32>
      %add3A_210 = arith.addi %xor3A_205, %add3A_209 : vector<16xi32>
      %add3A_211 = arith.constant 4 : i32
      %add3A_212 = vector.broadcast %add3A_211 : i32 to vector<16xi32>
      %add3A_213 = arith.addi %add3A_210, %add3A_212 : vector<16xi32>
      %add3A_214 = arith.addi %add3A_208, %add3A_213 : vector<16xi32>
      %shift_left3A_215 = arith.constant 13 : i32
      %shift_left3A_216 = vector.broadcast %shift_left3A_215 : i32 to vector<16xi32>
      %shift_left3A_217 = arith.shli %add3A_213, %shift_left3A_216 : vector<16xi32>
      %shift_right_logical3A_218 = arith.constant 19 : i32
      %shift_right_logical3A_219 = vector.broadcast %shift_right_logical3A_218 : i32 to vector<16xi32>
      %shift_right_logical3A_220 = arith.shrui %add3A_213, %shift_right_logical3A_219 : vector<16xi32>
      %or3A_221 = arith.ori %shift_left3A_217, %shift_right_logical3A_220 : vector<16xi32>
      %xor3A_222 = arith.xori %add3A_214, %or3A_221 : vector<16xi32>
      %add3A_223 = arith.addi %add3A_214, %xor3A_222 : vector<16xi32>
      %shift_left3A_224 = arith.constant 15 : i32
      %shift_left3A_225 = vector.broadcast %shift_left3A_224 : i32 to vector<16xi32>
      %shift_left3A_226 = arith.shli %xor3A_222, %shift_left3A_225 : vector<16xi32>
      %shift_right_logical3A_227 = arith.constant 17 : i32
      %shift_right_logical3A_228 = vector.broadcast %shift_right_logical3A_227 : i32 to vector<16xi32>
      %shift_right_logical3A_229 = arith.shrui %xor3A_222, %shift_right_logical3A_228 : vector<16xi32>
      %or3A_230 = arith.ori %shift_left3A_226, %shift_right_logical3A_229 : vector<16xi32>
      %xor3A_231 = arith.xori %add3A_223, %or3A_230 : vector<16xi32>
      %add3A_232 = arith.addi %add3A_223, %xor3A_231 : vector<16xi32>
      %shift_left3A_233 = arith.constant 26 : i32
      %shift_left3A_234 = vector.broadcast %shift_left3A_233 : i32 to vector<16xi32>
      %shift_left3A_235 = arith.shli %xor3A_231, %shift_left3A_234 : vector<16xi32>
      %shift_right_logical3A_236 = arith.constant 6 : i32
      %shift_right_logical3A_237 = vector.broadcast %shift_right_logical3A_236 : i32 to vector<16xi32>
      %shift_right_logical3A_238 = arith.shrui %xor3A_231, %shift_right_logical3A_237 : vector<16xi32>
      %or3A_239 = arith.ori %shift_left3A_235, %shift_right_logical3A_238 : vector<16xi32>
      %xor3A_240 = arith.xori %add3A_232, %or3A_239 : vector<16xi32>
      %add3A_241 = arith.addi %add3A_232, %xor3A_240 : vector<16xi32>
      %shift_left3A_242 = arith.constant 6 : i32
      %shift_left3A_243 = vector.broadcast %shift_left3A_242 : i32 to vector<16xi32>
      %shift_left3A_244 = arith.shli %xor3A_240, %shift_left3A_243 : vector<16xi32>
      %shift_right_logical3A_245 = arith.constant 26 : i32
      %shift_right_logical3A_246 = vector.broadcast %shift_right_logical3A_245 : i32 to vector<16xi32>
      %shift_right_logical3A_247 = arith.shrui %xor3A_240, %shift_right_logical3A_246 : vector<16xi32>
      %or3A_248 = arith.ori %shift_left3A_244, %shift_right_logical3A_247 : vector<16xi32>
      %xor3A_249 = arith.xori %add3A_241, %or3A_248 : vector<16xi32>
      %add3A_250 = vector.broadcast %xor3A_31 : i32 to vector<16xi32>
      %add3A_251 = arith.addi %add3A_241, %add3A_250 : vector<16xi32>
      %add3A_252 = arith.constant 0 : i32
      %add3A_253 = vector.broadcast %add3A_252 : i32 to vector<16xi32>
      %add3A_254 = arith.addi %xor3A_249, %add3A_253 : vector<16xi32>
      %add3A_255 = arith.constant 5 : i32
      %add3A_256 = vector.broadcast %add3A_255 : i32 to vector<16xi32>
      %add3A_257 = arith.addi %add3A_254, %add3A_256 : vector<16xi32>
      %xor3A_258 = arith.xori %add3A_251, %add3A_257 : vector<16xi32>
      %shift_right_logical3A_259 = arith.constant 9 : i32
      %shift_right_logical3A_260 = vector.broadcast %shift_right_logical3A_259 : i32 to vector<16xi32>
      %shift_right_logical3A_261 = arith.shrui %xor3A_258, %shift_right_logical3A_260 : vector<16xi32>
      %lt3A = arith.constant 419431 : i32
      %lt3A_262 = vector.broadcast %lt3A : i32 to vector<16xi32>
      %lt3A_263 = arith.cmpi ult, %shift_right_logical3A_261, %lt3A_262 : vector<16xi32>
      %add3A_264 = arith.constant 0 : i32
      %add3A_265 = arith.addi %add3A_264, %mul3A_24 : i32
      %get3A = arith.index_cast %add3A_265 : i32 to index
      %get3A_266 = tpu.vector_load %arg4[%get3A] {strides = array<i32>} : memref<1920xi32, #tpu.memory_space<vmem>>, vector<16xi32>,
      %get3A_267 = vector.shape_cast %get3A_266 : vector<16xi32> to vector<16xi32>
      %select_n3A = arith.select %lt3A_263, %broadcast_in_dim3A_10, %get3A_267 : vector<16xi1>, vector<16xi32>
      %swap3A = arith.index_cast %add3A_265 : i32 to index
      %swap3A_268 = tpu.vector_load %arg4[%swap3A] {strides = array<i32>} : memref<1920xi32, #tpu.memory_space<vmem>>, vector<16xi32>,
      %swap3A_269 = vector.shape_cast %swap3A_268 : vector<16xi32> to vector<16xi32>
      %swap3A_270 = vector.shape_cast %select_n3A : vector<16xi32> to vector<16xi32>
      tpu.vector_store %arg4[%swap3A], %swap3A_270 {strides = array<i32>} : memref<1920xi32, #tpu.memory_space<vmem>>, vector<16xi32>,
      %add3A_271 = arith.constant 640 : i32
      %add3A_272 = arith.addi %add3A_271, %mul3A_24 : i32
      %get3A_273 = arith.index_cast %add3A_272 : i32 to index
      %get3A_274 = tpu.vector_load %arg4[%get3A_273] {strides = array<i32>} : memref<1920xi32, #tpu.memory_space<vmem>>, vector<16xi32>,
      %get3A_275 = vector.shape_cast %get3A_274 : vector<16xi32> to vector<16xi32>
      %select_n3A_276 = arith.select %lt3A_263, %broadcast_in_dim3A_10, %get3A_275 : vector<16xi1>, vector<16xi32>
      %swap3A_277 = arith.index_cast %add3A_272 : i32 to index
      %swap3A_278 = tpu.vector_load %arg4[%swap3A_277] {strides = array<i32>} : memref<1920xi32, #tpu.memory_space<vmem>>, vector<16xi32>,
      %swap3A_279 = vector.shape_cast %swap3A_278 : vector<16xi32> to vector<16xi32>
      %swap3A_280 = vector.shape_cast %select_n3A_276 : vector<16xi32> to vector<16xi32>
      tpu.vector_store %arg4[%swap3A_277], %swap3A_280 {strides = array<i32>} : memref<1920xi32, #tpu.memory_space<vmem>>, vector<16xi32>,
      %add3A_281 = arith.constant 1280 : i32
      %add3A_282 = arith.addi %add3A_281, %mul3A_24 : i32
      %get3A_283 = arith.index_cast %add3A_282 : i32 to index
      %get3A_284 = tpu.vector_load %arg4[%get3A_283] {strides = array<i32>} : memref<1920xi32, #tpu.memory_space<vmem>>, vector<16xi32>,
      %get3A_285 = vector.shape_cast %get3A_284 : vector<16xi32> to vector<16xi32>
      %select_n3A_286 = arith.select %lt3A_263, %broadcast_in_dim3A_10, %get3A_285 : vector<16xi1>, vector<16xi32>
      %swap3A_287 = arith.index_cast %add3A_282 : i32 to index
      %swap3A_288 = tpu.vector_load %arg4[%swap3A_287] {strides = array<i32>} : memref<1920xi32, #tpu.memory_space<vmem>>, vector<16xi32>,
      %swap3A_289 = vector.shape_cast %swap3A_288 : vector<16xi32> to vector<16xi32>
      %swap3A_290 = vector.shape_cast %select_n3A_286 : vector<16xi32> to vector<16xi32>
      tpu.vector_store %arg4[%swap3A_287], %swap3A_290 {strides = array<i32>} : memref<1920xi32, #tpu.memory_space<vmem>>, vector<16xi32>,
    }
    %scan3A_15 = arith.constant 40 : i32
    %add3A_16 = arith.constant 0 : i32
    %add3A_17 = arith.addi %add3A_16, %multiple_of3A : i32
    "tpu.region"() ({
      %run_scoped3A = tpu.sem_alloc : memref<!tpu.dma_semaphore, #tpu.memory_space<semaphore_mem>>
      %dma_start3A = arith.constant 0 : i32
      %dma_start3A_22 = tpu.memref_slice %arg4[%dma_start3A] : memref<1920xi32, #tpu.memory_space<vmem>> -> memref<640xi32, #tpu.memory_space<vmem>>
      %dma_start3A_23 = tpu.memref_slice %arg3[%add3A_17] : memref<30000xi32, #tpu.memory_space<hbm>> -> memref<640xi32, #tpu.memory_space<hbm>>
      %dma_start3A_24 = tpu.memref_slice %arg3[%add3A_17] : memref<30000xi32, #tpu.memory_space<hbm>> -> memref<640xi32, #tpu.memory_space<hbm>>
      %dma_start3A_25 = arith.constant 0 : i32
      %dma_start3A_26 = tpu.memref_slice %arg4[%dma_start3A_25] : memref<1920xi32, #tpu.memory_space<vmem>> -> memref<640xi32, #tpu.memory_space<vmem>>
      tpu.enqueue_dma source(%dma_start3A_26 : memref<640xi32, #tpu.memory_space<vmem>>) target(%dma_start3A_24 : memref<640xi32, #tpu.memory_space<hbm>>) target_semaphore(%run_scoped3A : memref<!tpu.dma_semaphore, #tpu.memory_space<semaphore_mem>>)
      %dma_wait3A = arith.constant 0 : i32
      %dma_wait3A_27 = tpu.memref_slice %arg4[%dma_wait3A] : memref<1920xi32, #tpu.memory_space<vmem>> -> memref<640xi32, #tpu.memory_space<vmem>>
      %dma_wait3A_28 = tpu.memref_slice %arg3[%add3A_17] : memref<30000xi32, #tpu.memory_space<hbm>> -> memref<640xi32, #tpu.memory_space<hbm>>
      %dma_wait3A_29 = tpu.memref_slice %arg3[%add3A_17] : memref<30000xi32, #tpu.memory_space<hbm>> -> memref<640xi32, #tpu.memory_space<hbm>>
      %dma_wait3A_30 = arith.constant 0 : i32
      %dma_wait3A_31 = tpu.memref_slice %arg4[%dma_wait3A_30] : memref<1920xi32, #tpu.memory_space<vmem>> -> memref<640xi32, #tpu.memory_space<vmem>>
      tpu.wait_dma2 semaphore(%run_scoped3A : memref<!tpu.dma_semaphore, #tpu.memory_space<semaphore_mem>>) src(%dma_wait3A_31 : memref<640xi32, #tpu.memory_space<vmem>>) dst(%dma_wait3A_29 : memref<640xi32, #tpu.memory_space<hbm>>)
      tpu.yield
    }) : () -> ()
    %add3A_18 = arith.constant 10000 : i32
    %add3A_19 = arith.addi %add3A_18, %multiple_of3A : i32
    "tpu.region"() ({
      %run_scoped3A = tpu.sem_alloc : memref<!tpu.dma_semaphore, #tpu.memory_space<semaphore_mem>>
      %dma_start3A = arith.constant 640 : i32
      %dma_start3A_22 = tpu.memref_slice %arg4[%dma_start3A] : memref<1920xi32, #tpu.memory_space<vmem>> -> memref<640xi32, #tpu.memory_space<vmem>>
      %dma_start3A_23 = tpu.memref_slice %arg3[%add3A_19] : memref<30000xi32, #tpu.memory_space<hbm>> -> memref<640xi32, #tpu.memory_space<hbm>>
      %dma_start3A_24 = tpu.memref_slice %arg3[%add3A_19] : memref<30000xi32, #tpu.memory_space<hbm>> -> memref<640xi32, #tpu.memory_space<hbm>>
      %dma_start3A_25 = arith.constant 640 : i32
      %dma_start3A_26 = tpu.memref_slice %arg4[%dma_start3A_25] : memref<1920xi32, #tpu.memory_space<vmem>> -> memref<640xi32, #tpu.memory_space<vmem>>
      tpu.enqueue_dma source(%dma_start3A_26 : memref<640xi32, #tpu.memory_space<vmem>>) target(%dma_start3A_24 : memref<640xi32, #tpu.memory_space<hbm>>) target_semaphore(%run_scoped3A : memref<!tpu.dma_semaphore, #tpu.memory_space<semaphore_mem>>)
      %dma_wait3A = arith.constant 640 : i32
      %dma_wait3A_27 = tpu.memref_slice %arg4[%dma_wait3A] : memref<1920xi32, #tpu.memory_space<vmem>> -> memref<640xi32, #tpu.memory_space<vmem>>
      %dma_wait3A_28 = tpu.memref_slice %arg3[%add3A_19] : memref<30000xi32, #tpu.memory_space<hbm>> -> memref<640xi32, #tpu.memory_space<hbm>>
      %dma_wait3A_29 = tpu.memref_slice %arg3[%add3A_19] : memref<30000xi32, #tpu.memory_space<hbm>> -> memref<640xi32, #tpu.memory_space<hbm>>
      %dma_wait3A_30 = arith.constant 640 : i32
      %dma_wait3A_31 = tpu.memref_slice %arg4[%dma_wait3A_30] : memref<1920xi32, #tpu.memory_space<vmem>> -> memref<640xi32, #tpu.memory_space<vmem>>
      tpu.wait_dma2 semaphore(%run_scoped3A : memref<!tpu.dma_semaphore, #tpu.memory_space<semaphore_mem>>) src(%dma_wait3A_31 : memref<640xi32, #tpu.memory_space<vmem>>) dst(%dma_wait3A_29 : memref<640xi32, #tpu.memory_space<hbm>>)
      tpu.yield
    }) : () -> ()
    %add3A_20 = arith.constant 20000 : i32
    %add3A_21 = arith.addi %add3A_20, %multiple_of3A : i32
    "tpu.region"() ({
      %run_scoped3A = tpu.sem_alloc : memref<!tpu.dma_semaphore, #tpu.memory_space<semaphore_mem>>
      %dma_start3A = arith.constant 1280 : i32
      %dma_start3A_22 = tpu.memref_slice %arg4[%dma_start3A] : memref<1920xi32, #tpu.memory_space<vmem>> -> memref<640xi32, #tpu.memory_space<vmem>>
      %dma_start3A_23 = tpu.memref_slice %arg3[%add3A_21] : memref<30000xi32, #tpu.memory_space<hbm>> -> memref<640xi32, #tpu.memory_space<hbm>>
      %dma_start3A_24 = tpu.memref_slice %arg3[%add3A_21] : memref<30000xi32, #tpu.memory_space<hbm>> -> memref<640xi32, #tpu.memory_space<hbm>>
      %dma_start3A_25 = arith.constant 1280 : i32
      %dma_start3A_26 = tpu.memref_slice %arg4[%dma_start3A_25] : memref<1920xi32, #tpu.memory_space<vmem>> -> memref<640xi32, #tpu.memory_space<vmem>>
      tpu.enqueue_dma source(%dma_start3A_26 : memref<640xi32, #tpu.memory_space<vmem>>) target(%dma_start3A_24 : memref<640xi32, #tpu.memory_space<hbm>>) target_semaphore(%run_scoped3A : memref<!tpu.dma_semaphore, #tpu.memory_space<semaphore_mem>>)
      %dma_wait3A = arith.constant 1280 : i32
      %dma_wait3A_27 = tpu.memref_slice %arg4[%dma_wait3A] : memref<1920xi32, #tpu.memory_space<vmem>> -> memref<640xi32, #tpu.memory_space<vmem>>
      %dma_wait3A_28 = tpu.memref_slice %arg3[%add3A_21] : memref<30000xi32, #tpu.memory_space<hbm>> -> memref<640xi32, #tpu.memory_space<hbm>>
      %dma_wait3A_29 = tpu.memref_slice %arg3[%add3A_21] : memref<30000xi32, #tpu.memory_space<hbm>> -> memref<640xi32, #tpu.memory_space<hbm>>
      %dma_wait3A_30 = arith.constant 1280 : i32
      %dma_wait3A_31 = tpu.memref_slice %arg4[%dma_wait3A_30] : memref<1920xi32, #tpu.memory_space<vmem>> -> memref<640xi32, #tpu.memory_space<vmem>>
      tpu.wait_dma2 semaphore(%run_scoped3A : memref<!tpu.dma_semaphore, #tpu.memory_space<semaphore_mem>>) src(%dma_wait3A_31 : memref<640xi32, #tpu.memory_space<vmem>>) dst(%dma_wait3A_29 : memref<640xi32, #tpu.memory_space<hbm>>)
      tpu.yield
    }) : () -> ()
    return
  }
}

</mosaic_0001>

<sc_bundles>
// kernel: _node_drop_masks.3.cloned.1.call-start
scs
__scs_entry_jumppad:
0x0: {  	(pc) =	sbr.rel $0x88, $3  }
0x1: {  	(tag) =	ssettag $0x0;
	lr =	simm.s32 $0x1  }
0x2: {  	[smem:$0x3FA0] =	sst lr;
	_ =	strace $0xD0000000  }
0x3: {  	_ = 	snop  }
0x4: {  	_ = 	snop  }
0x5: {  	_ = 	snop  }
0x6: {  	_ = 	snop  }
0x7: {  	_ = 	snop  }
__scs_overlays_trampoline_lowered:
0x8: {  	[smem:$0x3FAF] =	sst s0  }
0x9: {  	[smem:$0x3FB0] =	sst s1  }
0xa: {  	[smem:$0x3FB1] =	sst s2  }
0xb: {  	[smem:$0x3FB2] =	sst s3  }
0xc: {  	[smem:$0x3FB3] =	sst s4  }
0xd: {  	[smem:$0x3FB4] =	sst s5  }
0xe: {  	[smem:$0x3FB5] =	sst s6  }
0xf: {  	[smem:$0x3FB6] =	sst s7  }
0x10: {  	[smem:$0x3FB7] =	sst s8  }
0x11: {  	[smem:$0x3FB8] =	sst s9;
	s0 =	simm.s32 @!p0 $0x0  }
0x12: {  	s1 =	sld [smem:$0x3F9E];
	s0 =	simm.s32 @p0 $0x1  }
0x13: {  	[smem:$0x3FB9] =	sst s0;
	s0 =	simm.s32 @!p1 $0x0  }
0x14: {  	s2 =	sld [smem:$0x3F9D];
	s0 =	simm.s32 @p1 $0x1  }
0x15: {  	[smem:$0x3FBA] =	sst s0;
	s0 =	simm.s32 @!p2 $0x0  }
0x16: {  	s3 =	sld [smem:$0x3FDB];
	s0 =	simm.s32 @p2 $0x1  }
0x17: {  	s4 =	simm.s32 $0x1BF5;
	[smem:$0x3FBC] =	sst s0  }
0x18: {  	s0 =	sld [smem:$0x3F9F];
	_ =	swait.ge [sflag:s4], $0x0  }
0x19: {  	s7 =	sld [smem:$0x3FA0]  }
0x1a: {  	s8 =	sadd.s32 $0xFFFFE003, lr  }
0x1b: {  	s9 =	sadd.s32 $0xFFFFFEF7, lr;
	s5 =	simm.s32 $0xFFFFFFFF;
	p2 =	slt.u32 s8, $0xFFFFF086  }
0x1c: {  	p1 =	slt.u32 s9, $0xF7A;
	s5 =	simm.s32 @!p2 $0x0  }
0x1d: {  	s5 =	simm.s32 @p1 $0x1;
	p0 =	seq.s32 s7, s2  }
0x1e: {  	s7 =	smul.u32 @!p0 $0xF7A, s2;
	p2 =	seq.s32 @!p0 s5, $0x0  }
0x1f: {  	s9 =	smul.u32 $0xF7A, s1;
	s8 =	simm.s32 @!p0 $0x1BF5;
	p2 =	por !p2, p0  }
0x20: {  	[sflag:s8] =	ssyncset.s32 @!p0 $0xFFFFF086;
	s6 =	sadd.s32 @!p0 s3, s7;
	s7 =	simm.s32 @!p0 $0x108  }
0x21: {  	s3 =	sadd.s32 s3, s9;
	s6 =	sadd.s32 @!p0 $0x88, s6;
	s7 =	simm.s32 @p2 $0x1082  }
0x22: {  	[simem:s7], [sflag:s8] =	dma.local @!p0 [hbm:s6], $0xF7A  }
0x23: {  	s9 =	sor.u32 $0xD0000000, s2;
	s6 =	simm.s32 $0x108;
	_ =	swait.ge @!p0 [sflag:s8], $0x0  }
0x24: {  	s3 =	sadd.s32 $0x88, s3;
	s6 =	simm.s32 @!p1 $0x1082;
	[sflag:s4] =	ssyncset.s32 $0xFFFFF086  }
0x25: {  	[simem:s6], [sflag:s4] =	dma.local [hbm:s3], $0xF7A  }
0x26: {  	[smem:$0x3FA0] =	sst s1;
	(tag) =	ssettag s2;
	_ =	strace s9  }
0x27: {  	s1 =	sld [smem:$0x3FB0]  }
0x28: {  	s2 =	sld [smem:$0x3FB1]  }
0x29: {  	s4 =	sld [smem:$0x3FB3]  }
0x2a: {  	p0 =	seq.s32 s5, $0x0;
	s5 =	sld [smem:$0x3FB4]  }
0x2b: {  	s6 =	sld [smem:$0x3FB5]  }
0x2c: {  	s7 =	sld [smem:$0x3FB6]  }
0x2d: {  	s3 =	simm.s32 $0x108;
	s8 =	sld [smem:$0x3FB7]  }
0x2e: {  	s3 =	simm.s32 @!p0 $0x1082;
	s9 =	sld [smem:$0x3FB8]  }
0x2f: {  	lr =	sadd.s32 s0, s3;
	s0 =	sld [smem:$0x3FAF]  }
0x30: {  	s3 =	sld [smem:$0x3FB2]  }
0x31: {  	[smem:$0x3FBB] =	sst s10  }
0x32: {  	s10 =	sld [smem:$0x3FB9];
	_ =	sdelay $0x3  }
0x33: {  	p0 =	seq.s32 s10, $0x1;
	s10 =	sld [smem:$0x3FBB];
	_ =	sdelay $0x3  }
0x34: {  	[smem:$0x3FBB] =	sst s10  }
0x35: {  	s10 =	sld [smem:$0x3FBA];
	_ =	sdelay $0x3  }
0x36: {  	p1 =	seq.s32 s10, $0x1;
	s10 =	sld [smem:$0x3FBB];
	_ =	sdelay $0x3  }
0x37: {  	[smem:$0x3FBB] =	sst s10  }
0x38: {  	s10 =	sld [smem:$0x3FBC]  }
0x39: {  	_ = 	snop;
	(pc) =	sbr.ind lr, $3  }
0x3a: {  	_ = 	snop  }
0x3b: {  	_ = 	snop  }
0x3c: {  	p2 =	seq.s32 s10, $0x1;
	s10 =	sld [smem:$0x3FBB]  }
0x3d: {  	_ =	shalt  }
0x3e: {  	_ =	shalt  }
0x3f: {  	_ =	shalt  }
0x40: {  	_ =	shalt  }
0x41: {  	_ =	shalt  }
0x42: {  	_ =	shalt  }
0x43: {  	_ =	shalt  }
0x44: {  	_ =	shalt  }
0x45: {  	_ =	shalt  }
0x46: {  	_ =	shalt  }
0x47: {  	_ =	shalt  }
0x48: {  	_ =	shalt  }
0x49: {  	_ =	shalt  }
0x4a: {  	_ =	shalt  }
0x4b: {  	_ =	shalt  }
0x4c: {  	_ =	shalt  }
0x4d: {  	_ =	shalt  }
0x4e: {  	_ =	shalt  }
0x4f: {  	_ =	shalt  }
0x50: {  	_ =	shalt  }
0x51: {  	_ =	shalt  }
0x52: {  	_ =	shalt  }
0x53: {  	_ =	shalt  }
0x54: {  	_ =	shalt  }
0x55: {  	_ =	shalt  }
0x56: {  	_ =	shalt  }
0x57: {  	_ =	shalt  }
0x58: {  	_ =	shalt  }
0x59: {  	_ =	shalt  }
0x5a: {  	_ =	shalt  }
0x5b: {  	_ =	shalt  }
0x5c: {  	_ =	shalt  }
0x5d: {  	_ =	shalt  }
0x5e: {  	_ =	shalt  }
0x5f: {  	_ =	shalt  }
0x60: {  	_ =	shalt  }
0x61: {  	_ =	shalt  }
0x62: {  	_ =	shalt  }
0x63: {  	_ =	shalt  }
0x64: {  	_ =	shalt  }
0x65: {  	_ =	shalt  }
0x66: {  	_ =	shalt  }
0x67: {  	_ =	shalt  }
0x68: {  	_ =	shalt  }
0x69: {  	_ =	shalt  }
0x6a: {  	_ =	shalt  }
0x6b: {  	_ =	shalt  }
0x6c: {  	_ =	shalt  }
0x6d: {  	_ =	shalt  }
0x6e: {  	_ =	shalt  }
0x6f: {  	_ =	shalt  }
0x70: {  	_ =	shalt  }
0x71: {  	_ =	shalt  }
0x72: {  	_ =	shalt  }
0x73: {  	_ =	shalt  }
0x74: {  	_ =	shalt  }
0x75: {  	_ =	shalt  }
0x76: {  	_ =	shalt  }
0x77: {  	_ =	shalt  }
0x78: {  	_ =	shalt  }
0x79: {  	_ =	shalt  }
0x7a: {  	_ =	shalt  }
0x7b: {  	_ =	shalt  }
0x7c: {  	_ =	shalt  }
0x7d: {  	_ =	shalt  }
0x7e: {  	_ =	shalt  }
0x7f: {  	_ =	shalt  }
0x80: {  	_ =	shalt  }
0x81: {  	_ =	shalt  }
0x82: {  	_ =	shalt  }
0x83: {  	_ =	shalt  }
0x84: {  	_ =	shalt  }
0x85: {  	_ =	shalt  }
0x86: {  	_ =	shalt  }
0x87: {  	_ =	shalt  }
.Lfunc_end0:
.L_simem_size_0:
called_computation_lowered:
.L_overlay_start_0:
0x88: {  	s0 =	sld [smem:$0x3FD9]  }
0x89: {  	s1 =	sld [smem:$0x3FFE];
	_ =	sdelay $0x3  }
0x8a: {  	s0 =	sadd.s32 s1, s0  }
0x8b: {  	[smem:$0x3FC7] =	sst s0  }
0x8c: {  	_ = 	snop  }
0x8d: {  	s0 =	sld [smem:$0x3FC9]  }
0x8e: {  	s17 =	sld [smem:$0x3FD0];
	(tm) =	ssettm $0x1  }
0x8f: {  	s2 =	sld [smem:$0x3FFB];
	_ =	sdelay $0x3  }
0x90: {  	_ =	strace s2  }
0x91: {  	s2 =	sld [smem:$0x3FFC];
	_ =	sdelay $0x3  }
0x92: {  	_ =	strace s2  }
0x93: {  	s2 =	sld [smem:$0x3FFD];
	_ =	sdelay $0x3  }
0x94: {  	_ =	strace s2  }
0x95: {  	_ =	strace $0x8FFFFFFF  }
0x96: {  	s18 =	sld [smem:$0x3FDB];
	_ =	sdelay $0x1  }
0x97: {  	s3 =	simm.s32 $_scs_section_size  }
0x98: {  	s4 =	simm.s32 $_size__tile_overlayer_lowered;
	s5 =	simm.s32 $_tile_overlayer_lowered  }
0x99: {  	s21 =	simm.s32 $0x1BFF;
	s20 =	sshll.u32 s5, $0x1;
	s2 =	sadd.s32 s3, s18  }
0x9a: {  	s6 =	simm.s32 $0x0;
	s19 =	sshll.u32 s4, $0x1;
	s4 =	sadd.s32 s20, s2  }
0x9b: {  	[timem:s6], [sflag:s21] =	dma.local [hbm:s4], s19  }
0x9c: {  	_ =	swait.ge [sflag:s21], s19  }
0x9d: {  	s3 =	ssub.s32 $0x0, s19;
	[sflag:s21] =	ssyncset.done $0x0  }
0x9e: {  	[sflag:s21] =	ssyncadd.s32 s3;
	_ =	sdelay $0x1  }
0x9f: {  	s22 =	simm.s32 $0x1B8B  }
0xa0: {  	_ =	swait.ge [sflag:s22], $0x1  }
0xa1: {  	[sflag:s22] =	ssyncset.done $0x0  }
0xa2: {  	s23 =	simm.s32 $0x1B8E;
	[sflag:s22] =	ssyncadd.s32 $0xFFFFFFFF  }
0xa3: {  	s24 =	simm.s32 $execute0_lowered;
	[smem:$0x3FD2] =	sst s23  }
0xa4: {  	s3 =	sshll.u32 s24, $0x1;
	_ =	strace $0x80000046;
	[dreg:$0x1] =	wrdreg $0xFFFFFFFF  }
0xa5: {  	s25 =	simm.s32 $_size_execute0_lowered;
	s2 =	sadd.s32 s2, s3;
	[dreg:$0x0] =	wrdreg $0x0  }
0xa6: {  	s3 =	sshll.u32 s25, $0x1;
	[dreg:$0x2] =	wrdreg s2  }
0xa7: {  	[dreg:$0x3] =	wrdreg s3  }
0xa8: {  	[dreg:$0x4] =	wrdreg $0xC0  }
0xa9: {  	_ =	task [dreg:s6], $0x5FFFF  }
0xaa: {  	[dreg:$0x1] =	wrdreg $0xFFFFFFFF  }
0xab: {  	[dreg:$0x0] =	wrdreg $0x60  }
0xac: {  	[dreg:$0x2] =	wrdreg s0  }
0xad: {  	[dreg:$0x3] =	wrdreg s17  }
0xae: {  	[dreg:$0x4] =	wrdreg $0x9  }
0xaf: {  	_ =	task.clear_ibuf [dreg:s6], $0x5FFFF;
	_ =	strace $0x90000046  }
0xb0: {  	s26 =	simm.s32 $0x9;
	_ =	strace $0x80000048  }
0xb1: {  	_ =	swait.ge [sflag:s26], $0x1  }
0xb2: {  	[sflag:s26] =	ssyncadd.s32 $0xFFFFFFFF  }
0xb3: {  	_ =	strace $0x90000048  }
0xb4: {  	_ =	sfence  }
0xb5: {  	s28 =	sld [smem:$0x0];
	_ =	sdelay $0x1  }
0xb6: {  	s29 =	srdreg.scid  }
0xb7: {  	s30 =	sshll.u32 s29, $0xD;
	s31 =	sshrl.u32 s29, $0x2  }
0xb8: {  	s1 =	sand.u32 $0x1, s29;
	s2 =	sand.u32 $0x4000, s30;
	s0 =	sadd.s32 s31, s28  }
0xb9: {  	s1 =	sor.u32 s2, s1;
	s0 =	sshll.u32 s0, $0x11  }
0xba: {  	s0 =	sor.u32 s0, s1  }
0xbb: {  	s0 =	sadd.s32 $0x8F2B, s0  }
0xbc: {  	[sflag:s0] =	ssyncadd.remote.s32 $0x1  }
0xbd: {  	_ =	sfence.sel $0xFFFF  }
0xbe: {  	[dreg:$0x0] =	wrdreg $0xFFFFFFFF;
	(pc) =	sbr.abs _section_cstart, $3  }
0xbf: {  	[dreg:$0x1] =	wrdreg $0xFFFFFFFF  }
0xc0: {  	_ =	task.clear_ibuf [dreg:s6], $0x2FFFF;
	_ =	strace $0x9FFFFFFF  }
0xc1: {  	(tm) =	ssettm $0x7FFFFFFF  }
tec
execute0_lowered:
.L_overlay_start_1:
0x0: {  	(tag) =	ssettag $0x1  }
0x1: {  	s0 =	stileid.u32  }
0x2: {  	s1 =	smul.u32 $0x280, s0;
	_ =	sdelay $0x1  }
0x3: {  	v0 =	vlaneseq.u32;
	s1 =	smin.u32 s1, $0x2490  }
0x4: {  	v0 =	vadd.s32 $0x2A, v0;
	s2 =	sadd.s32 $0x0, s1  }
0x5: {  	v1 =	vadd.s32 s2, v0  }
0x6: {  	v2 =	vshll.u32 v1, $0xD  }
0x7: {  	v2 =	vxor.u32 v1, v2  }
0x8: {  	v3 =	vshrl.u32 v2, $0x11;
	v4 =	vshll.u32 v2, $0xF  }
0x9: {  	v1 =	vadd.s32 v1, v2;
	v2 =	vor.u32 v3, v4  }
0xa: {  	v2 =	vxor.u32 v2, v1  }
0xb: {  	v3 =	vshrl.u32 v2, $0x6;
	v4 =	vshll.u32 v2, $0x1A  }
0xc: {  	v1 =	vadd.s32 v1, v2;
	v2 =	vor.u32 v3, v4  }
0xd: {  	v2 =	vxor.u32 v2, v1  }
0xe: {  	v3 =	vshrl.u32 v2, $0x1A;
	v4 =	vshll.u32 v2, $0x6  }
0xf: {  	v1 =	vadd.s32 v1, v2;
	v2 =	vor.u32 v3, v4  }
0x10: {  	v2 =	vxor.u32 v2, v1  }
0x11: {  	v2 =	vadd.s32 $0x1BD11BF1, v2  }
0x12: {  	v1 =	vadd.s32 v2, v1;
	v3 =	vshrl.u32 v2, $0xF;
	v2 =	vshll.u32 v2, $0x11  }
0x13: {  	v1 =	vadd.s32 $0x2A, v1;
	v2 =	vor.u32 v3, v2  }
0x14: {  	v2 =	vxor.u32 v2, v1  }
0x15: {  	v3 =	vshrl.u32 v2, $0x3;
	v4 =	vshll.u32 v2, $0x1D  }
0x16: {  	s26 =	sadd.s32 $0x10, s1;
	v1 =	vadd.s32 v1, v2;
	v2 =	vor.u32 v3, v4  }
0x17: {  	v3 =	vadd.s32 s26, v0;
	v2 =	vxor.u32 v2, v1  }
0x18: {  	v5 =	vshll.u32 v3, $0xD;
	v4 =	vshrl.u32 v2, $0x10  }
0x19: {  	v6 =	vshll.u32 v2, $0x10;
	v1 =	vadd.s32 v1, v2;
	v2 =	vxor.u32 v3, v5  }
0x1a: {  	v4 =	vor.u32 v4, v6;
	v5 =	vshrl.u32 v2, $0x11;
	v6 =	vshll.u32 v2, $0xF  }
0x1b: {  	v2 =	vadd.s32 v3, v2;
	v4 =	vxor.u32 v4, v1;
	v3 =	vor.u32 v5, v6  }
0x1c: {  	v5 =	vshrl.u32 v4, $0x8;
	v6 =	vshll.u32 v4, $0x18;
	v3 =	vxor.u32 v3, v2  }
0x1d: {  	v1 =	vadd.s32 v1, v4;
	v4 =	vshrl.u32 v3, $0x6;
	v7 =	vshll.u32 v3, $0x1A  }
0x1e: {  	v5 =	vor.u32 v5, v6;
	v2 =	vadd.s32 v2, v3;
	v3 =	vor.u32 v4, v7  }
0x1f: {  	v4 =	vxor.u32 v5, v1;
	v3 =	vxor.u32 v3, v2  }
0x20: {  	v4 =	vadd.s32 $0x2, v4;
	v5 =	vshrl.u32 v3, $0x1A  }
0x21: {  	v6 =	vshll.u32 v3, $0x6;
	v1 =	vadd.s32 v4, v1;
	v2 =	vadd.s32 v2, v3  }
0x22: {  	v3 =	vor.u32 v5, v6;
	v5 =	vshrl.u32 v4, $0x13;
	v4 =	vshll.u32 v4, $0xD  }
0x23: {  	v1 =	vadd.s32 $0x1BD11BF0, v1;
	v3 =	vxor.u32 v3, v2;
	v4 =	vor.u32 v5, v4  }
0x24: {  	v3 =	vadd.s32 $0x1BD11BF1, v3;
	v4 =	vxor.u32 v4, v1  }
0x25: {  	v2 =	vadd.s32 v3, v2;
	v5 =	vshrl.u32 v3, $0xF;
	v3 =	vshll.u32 v3, $0x11  }
0x26: {  	v6 =	vshll.u32 v4, $0xF;
	v2 =	vadd.s32 $0x2A, v2;
	v3 =	vor.u32 v5, v3  }
0x27: {  	v1 =	vadd.s32 v1, v4;
	v5 =	vshrl.u32 v4, $0x11;
	v3 =	vxor.u32 v3, v2  }
0x28: {  	v5 =	vor.u32 v5, v6;
	v4 =	vshrl.u32 v3, $0x3;
	v7 =	vshll.u32 v3, $0x1D  }
0x29: {  	v2 =	vadd.s32 v2, v3;
	v3 =	vor.u32 v4, v7;
	v4 =	vxor.u32 v5, v1  }
0x2a: {  	v3 =	vxor.u32 v3, v2;
	v5 =	vshrl.u32 v4, $0x6  }
0x2b: {  	v8 =	vshll.u32 v4, $0x1A;
	v6 =	vshrl.u32 v3, $0x10;
	v7 =	vshll.u32 v3, $0x10  }
0x2c: {  	s28 =	sadd.s32 $0x20, s1;
	v1 =	vadd.s32 v1, v4;
	v2 =	vadd.s32 v2, v3;
	v3 =	vor.u32 v6, v7  }
0x2d: {  	v4 =	vor.u32 v5, v8;
	v7 =	vadd.s32 s28, v0;
	v3 =	vxor.u32 v3, v2  }
0x2e: {  	v4 =	vxor.u32 v4, v1;
	v5 =	vshrl.u32 v3, $0x8;
	v6 =	vshll.u32 v3, $0x18  }
0x2f: {  	v2 =	vadd.s32 v2, v3;
	v3 =	vor.u32 v5, v6;
	v5 =	vshll.u32 v7, $0xD  }
0x30: {  	v1 =	vadd.s32 v1, v4;
	v5 =	vxor.u32 v7, v5  }
0x31: {  	v3 =	vxor.u32 v3, v2;
	v6 =	vshrl.u32 v5, $0x11;
	v8 =	vshll.u32 v5, $0xF  }
0x32: {  	v3 =	vadd.s32 $0x2, v3;
	v5 =	vadd.s32 v7, v5;
	v6 =	vor.u32 v6, v8  }
0x33: {  	v7 =	vshrl.u32 v4, $0x1A;
	v4 =	vshll.u32 v4, $0x6;
	v6 =	vxor.u32 v6, v5  }
0x34: {  	v2 =	vadd.s32 v3, v2;
	v8 =	vshrl.u32 v6, $0x6;
	v9 =	vshll.u32 v6, $0x1A  }
0x35: {  	v10 =	vshrl.u32 v3, $0x13;
	v5 =	vadd.s32 v5, v6;
	v6 =	vor.u32 v8, v9  }
0x36: {  	v3 =	vshll.u32 v3, $0xD;
	v2 =	vadd.s32 $0x1BD11BF0, v2;
	v6 =	vxor.u32 v6, v5  }
0x37: {  	v3 =	vor.u32 v10, v3;
	v8 =	vshrl.u32 v6, $0x1A;
	v9 =	vshll.u32 v6, $0x6  }
0x38: {  	v3 =	vxor.u32 v3, v2;
	v5 =	vadd.s32 v5, v6;
	v6 =	vor.u32 v8, v9  }
0x39: {  	v4 =	vor.u32 v7, v4;
	v7 =	vshrl.u32 v3, $0x11;
	v6 =	vxor.u32 v6, v5  }
0x3a: {  	v2 =	vadd.s32 v2, v3;
	v8 =	vshll.u32 v3, $0xF;
	v3 =	vadd.s32 $0x1BD11BF1, v6  }
0x3b: {  	v5 =	vadd.s32 v3, v5;
	v6 =	vshrl.u32 v3, $0xF;
	v3 =	vshll.u32 v3, $0x11  }
0x3c: {  	v4 =	vxor.u32 v4, v1;
	v5 =	vadd.s32 $0x2A, v5;
	v3 =	vor.u32 v6, v3  }
0x3d: {  	v4 =	vadd.s32 $0x2D, v4;
	v7 =	vor.u32 v7, v8;
	v3 =	vxor.u32 v3, v5  }
0x3e: {  	v6 =	vxor.u32 v7, v2;
	v7 =	vshrl.u32 v3, $0x3;
	v8 =	vshll.u32 v3, $0x1D  }
0x3f: {  	v1 =	vadd.s32 v1, v4;
	v3 =	vadd.s32 v5, v3;
	v5 =	vor.u32 v7, v8  }
0x40: {  	v9 =	vshrl.u32 v6, $0x6;
	v7 =	vshll.u32 v6, $0x1A;
	v5 =	vxor.u32 v5, v3  }
0x41: {  	v2 =	vadd.s32 v2, v6;
	v6 =	vor.u32 v9, v7;
	v7 =	vshrl.u32 v5, $0x10  }
0x42: {  	v8 =	vshll.u32 v5, $0x10;
	v3 =	vadd.s32 v3, v5;
	v6 =	vxor.u32 v6, v2  }
0x43: {  	v5 =	vor.u32 v7, v8;
	v7 =	vshll.u32 v4, $0x11;
	v4 =	vshrl.u32 v4, $0xF  }
0x44: {  	v2 =	vadd.s32 v2, v6;
	v5 =	vxor.u32 v5, v3;
	v4 =	vor.u32 v4, v7  }
0x45: {  	v7 =	vshrl.u32 v5, $0x8;
	v8 =	vshll.u32 v5, $0x18;
	v4 =	vxor.u32 v4, v1  }
0x46: {  	v3 =	vadd.s32 v3, v5;
	v5 =	vor.u32 v7, v8;
	v1 =	vadd.s32 v1, v4  }
0x47: {  	v7 =	vshll.u32 v4, $0x1D;
	v8 =	vshrl.u32 v6, $0x1A;
	v5 =	vxor.u32 v5, v3  }
0x48: {  	v6 =	vshll.u32 v6, $0x6;
	v4 =	vshrl.u32 v4, $0x3;
	v5 =	vadd.s32 $0x2, v5  }
0x49: {  	s29 =	sadd.s32 $0x30, s1;
	v3 =	vadd.s32 v5, v3;
	v9 =	vshrl.u32 v5, $0x13;
	v5 =	vshll.u32 v5, $0xD  }
0x4a: {  	v6 =	vor.u32 v8, v6;
	v5 =	vor.u32 v9, v5;
	v9 =	vadd.s32 s29, v0  }
0x4b: {  	v4 =	vor.u32 v4, v7;
	v6 =	vxor.u32 v6, v2;
	v8 =	vshll.u32 v9, $0xD  }
0x4c: {  	v4 =	vxor.u32 v4, v1;
	v3 =	vadd.s32 $0x1BD11BF0, v3;
	v8 =	vxor.u32 v9, v8  }
0x4d: {  	v5 =	vxor.u32 v5, v3;
	v12 =	vshrl.u32 v8, $0x11;
	v13 =	vshll.u32 v8, $0xF  }
0x4e: {  	v10 =	vshrl.u32 v5, $0x11;
	v7 =	vadd.s32 v9, v8;
	v8 =	vor.u32 v12, v13  }
0x4f: {  	v11 =	vshll.u32 v5, $0xF;
	v3 =	vadd.s32 v3, v5;
	v8 =	vxor.u32 v8, v7  }
0x50: {  	v5 =	vor.u32 v10, v11;
	v9 =	vshrl.u32 v8, $0x6;
	v10 =	vshll.u32 v8, $0x1A  }
0x51: {  	v6 =	vadd.s32 $0x2D, v6;
	v7 =	vadd.s32 v7, v8;
	v8 =	vor.u32 v9, v10  }
0x52: {  	v1 =	vadd.s32 v1, v4;
	v2 =	vadd.s32 v2, v6;
	v8 =	vxor.u32 v8, v7  }
0x53: {  	v5 =	vxor.u32 v5, v3;
	v11 =	vshrl.u32 v8, $0x1A;
	v12 =	vshll.u32 v8, $0x6  }
0x54: {  	v13 =	vshll.u32 v5, $0x1A;
	v7 =	vadd.s32 v7, v8;
	v8 =	vor.u32 v11, v12  }
0x55: {  	v3 =	vadd.s32 v3, v5;
	v10 =	vshrl.u32 v5, $0x6;
	v5 =	vxor.u32 v8, v7  }
0x56: {  	v9 =	vshrl.u32 v4, $0x10;
	v11 =	vshll.u32 v4, $0x10;
	v5 =	vadd.s32 $0x1BD11BF1, v5  }
0x57: {  	v8 =	vor.u32 v10, v13;
	v9 =	vor.u32 v9, v11;
	v7 =	vadd.s32 v5, v7  }
0x58: {  	v10 =	vshrl.u32 v5, $0xF;
	v5 =	vshll.u32 v5, $0x11;
	v4 =	vadd.s32 $0x2A, v7  }
0x59: {  	v5 =	vor.u32 v10, v5;
	v7 =	vxor.u32 v8, v3;
	v8 =	vxor.u32 v9, v1  }
0x5a: {  	v5 =	vxor.u32 v5, v4;
	v9 =	vshrl.u32 v8, $0x8;
	v1 =	vadd.s32 v1, v8  }
0x5b: {  	v8 =	vshll.u32 v8, $0x18;
	v3 =	vadd.s32 v3, v7;
	v10 =	vshrl.u32 v5, $0x3  }
0x5c: {  	v11 =	vshll.u32 v5, $0x1D;
	v4 =	vadd.s32 v4, v5;
	v8 =	vor.u32 v9, v8  }
0x5d: {  	v9 =	vshrl.u32 v7, $0x1A;
	v7 =	vshll.u32 v7, $0x6;
	v5 =	vor.u32 v10, v11  }
0x5e: {  	v10 =	vshll.u32 v6, $0x11;
	v6 =	vshrl.u32 v6, $0xF;
	v5 =	vxor.u32 v5, v4  }
0x5f: {  	v8 =	vxor.u32 v8, v1;
	v11 =	vshrl.u32 v5, $0x10;
	v12 =	vshll.u32 v5, $0x10  }
0x60: {  	v7 =	vor.u32 v9, v7;
	v4 =	vadd.s32 v4, v5;
	v5 =	vor.u32 v11, v12  }
0x61: {  	v6 =	vor.u32 v6, v10;
	v7 =	vxor.u32 v7, v3;
	v5 =	vxor.u32 v5, v4  }
0x62: {  	v8 =	vadd.s32 $0x1BD11BF4, v8;
	v10 =	vshrl.u32 v5, $0x8;
	v11 =	vshll.u32 v5, $0x18  }
0x63: {  	v6 =	vxor.u32 v6, v2;
	v4 =	vadd.s32 v4, v5;
	v5 =	vor.u32 v10, v11  }
0x64: {  	v7 =	vadd.s32 $0x2D, v7;
	v2 =	vadd.s32 v2, v6;
	v5 =	vxor.u32 v5, v4  }
0x65: {  	v12 =	vshll.u32 v6, $0x1D;
	v6 =	vshrl.u32 v6, $0x3;
	v5 =	vadd.s32 $0x2, v5  }
0x66: {  	v4 =	vadd.s32 v5, v4;
	v10 =	vshrl.u32 v5, $0x13;
	v5 =	vshll.u32 v5, $0xD  }
0x67: {  	v6 =	vor.u32 v6, v12;
	v4 =	vadd.s32 $0x1BD11BF0, v4;
	v5 =	vor.u32 v10, v5  }
0x68: {  	s30 =	sadd.s32 $0x40, s1;
	v1 =	vadd.s32 v8, v1;
	v6 =	vxor.u32 v6, v2;
	v5 =	vxor.u32 v5, v4  }
0x69: {  	v11 =	vadd.s32 s30, v0;
	v9 =	vshrl.u32 v5, $0x11;
	v10 =	vshll.u32 v5, $0xF  }
0x6a: {  	v13 =	vshll.u32 v6, $0x10;
	v4 =	vadd.s32 v4, v5;
	v5 =	vor.u32 v9, v10  }
0x6b: {  	v2 =	vadd.s32 v2, v6;
	v14 =	vshll.u32 v11, $0xD;
	v5 =	vxor.u32 v5, v4  }
0x6c: {  	v9 =	vshrl.u32 v6, $0x10;
	v10 =	vshrl.u32 v5, $0x6;
	v12 =	vshll.u32 v5, $0x1A  }
0x6d: {  	v4 =	vadd.s32 v4, v5;
	v5 =	vor.u32 v10, v12;
	v10 =	vxor.u32 v11, v14  }
0x6e: {  	v9 =	vor.u32 v9, v13;
	v12 =	vshrl.u32 v10, $0x11;
	v13 =	vshll.u32 v10, $0xF  }
0x6f: {  	v9 =	vxor.u32 v9, v2;
	v10 =	vadd.s32 v11, v10;
	v11 =	vor.u32 v12, v13  }
0x70: {  	v12 =	vxor.u32 v5, v4;
	v5 =	vshrl.u32 v8, $0x13;
	v11 =	vxor.u32 v11, v10  }
0x71: {  	v13 =	vshll.u32 v8, $0xD;
	v14 =	vshrl.u32 v11, $0x6;
	v15 =	vshll.u32 v11, $0x1A  }
0x72: {  	v5 =	vor.u32 v5, v13;
	v6 =	vadd.s32 v10, v11;
	v10 =	vor.u32 v14, v15  }
0x73: {  	v4 =	vadd.s32 v4, v12;
	v14 =	vshrl.u32 v9, $0x8;
	v8 =	vxor.u32 v10, v6  }
0x74: {  	v10 =	vadd.s32 $0x2A, v1;
	v1 =	vshrl.u32 v8, $0x1A;
	v11 =	vshll.u32 v8, $0x6  }
0x75: {  	v6 =	vadd.s32 v6, v8;
	v5 =	vxor.u32 v5, v10;
	v8 =	vor.u32 v1, v11  }
0x76: {  	v1 =	vadd.s32 v2, v9;
	v2 =	vadd.s32 v3, v7;
	v3 =	vxor.u32 v8, v6  }
0x77: {  	v8 =	vshll.u32 v9, $0x18;
	v9 =	vshll.u32 v7, $0x11;
	v7 =	vshrl.u32 v7, $0xF  }
0x78: {  	v10 =	vadd.s32 v10, v5;
	v3 =	vadd.s32 $0x1BD11BF1, v3;
	v7 =	vor.u32 v7, v9  }
0x79: {  	v6 =	vadd.s32 v3, v6;
	v11 =	vshrl.u32 v3, $0xF;
	v3 =	vshll.u32 v3, $0x11  }
0x7a: {  	v9 =	vshrl.u32 v5, $0x11;
	v6 =	vadd.s32 $0x2A, v6;
	v3 =	vor.u32 v11, v3  }
0x7b: {  	v5 =	vshll.u32 v5, $0xF;
	v8 =	vor.u32 v14, v8;
	v3 =	vxor.u32 v3, v6  }
0x7c: {  	v5 =	vor.u32 v9, v5;
	v11 =	vshrl.u32 v3, $0x3;
	v13 =	vshll.u32 v3, $0x1D  }
0x7d: {  	v9 =	vxor.u32 v7, v2;
	v3 =	vadd.s32 v6, v3;
	v6 =	vor.u32 v11, v13  }
0x7e: {  	v7 =	vxor.u32 v5, v10;
	v15 =	vshll.u32 v9, $0x1D;
	v6 =	vxor.u32 v6, v3  }
0x7f: {  	s7 =	rddreg [dreg:$0x0];
	v13 =	vshrl.u32 v7, $0x6;
	v5 =	vshrl.u32 v6, $0x10;
	v11 =	vshll.u32 v6, $0x10  }
0x80: {  	s3 =	rddreg [dreg:$0x1];
	s13 =	simm.s32 $0x0;
	v3 =	vadd.s32 v3, v6;
	v6 =	vshll.u32 v7, $0x1A;
	v5 =	vor.u32 v5, v11  }
0x81: {  	s8 =	simm.s32 $0x1;
	[smem:$0x7FF] =	sst s13;
	s4 =	sshrl.u32 s1, $0x3;
	v7 =	vadd.s32 v10, v7;
	v11 =	vxor.u32 v5, v3;
	v5 =	vadd.s32 v2, v9  }
0x82: {  	s2 =	rddreg [dreg:$0x2];
	_ =	strace $0x80000047;
	s5 =	sadd.s32 s7, s4;
	v2 =	vor.u32 v13, v6;
	v6 =	vshrl.u32 v11, $0x8;
	v13 =	vshll.u32 v11, $0x18  }
0x83: {  	[tilespmem:s13], [sflag:$0x1] =	stream.linear.gather [hbm4b:s5+s13], $0x280, $0x38;
	v10 =	vshrl.u32 v9, $0x3;
	v3 =	vadd.s32 v3, v11;
	v6 =	vor.u32 v6, v13;
	[tilespmem:$0x780] =	vst v63  }
0x84: {  	_ =	swait.ge [sflag:s8], $0x280;
	v10 =	vor.u32 v10, v15;
	v11 =	vshll.u32 v12, $0x6;
	v6 =	vxor.u32 v6, v3  }
0x85: {  	s5 =	sadd.s32 $0x4E2, s4;
	[sflag:s8] =	ssyncset.done $0x0;
	v13 =	vxor.u32 v8, v1;
	v8 =	vshrl.u32 v12, $0x1A;
	v6 =	vadd.s32 $0x2, v6  }
0x86: {  	s9 =	simm.s32 $0x280;
	s6 =	sadd.s32 s7, s5;
	[sflag:s8] =	ssyncadd.s32 $0xFFFFFD80;
	v3 =	vadd.s32 v6, v3;
	v12 =	vshrl.u32 v6, $0x13;
	v6 =	vshll.u32 v6, $0xD  }
0x87: {  	[tilespmem:s9], [sflag:$0x1] =	stream.linear.gather [hbm4b:s6+s13], $0x280, $0x38;
	v10 =	vxor.u32 v10, v5;
	v3 =	vadd.s32 $0x1BD11BF0, v3;
	v6 =	vor.u32 v12, v6;
	[tilespmem:$0x780] =	vst v63  }
0x88: {  	s31 =	simm.s32 $0x500;
	s12 =	simm.s32 $0x10;
	_ =	swait.ge [sflag:s8], $0x280;
	v9 =	vxor.u32 v2, v7;
	v15 =	vshll.u32 v10, $0x10;
	v2 =	vxor.u32 v6, v3  }
0x89: {  	s17 =	simm.s32 $0x50;
	s6 =	sadd.s32 $0x9C4, s4;
	[sflag:s8] =	ssyncset.done $0x0;
	v8 =	vor.u32 v8, v11;
	v11 =	vshrl.u32 v2, $0x11;
	v12 =	vshll.u32 v2, $0xF  }
0x8a: {  	s15 =	simm.s32 $0x0;
	s7 =	sadd.s32 s7, s6;
	[sflag:s8] =	ssyncadd.s32 $0xFFFFFD80;
	v6 =	vxor.u32 v8, v4;
	v2 =	vadd.s32 v3, v2;
	v3 =	vor.u32 v11, v12  }
0x8b: {  	[tilespmem:s31], [sflag:$0x1] =	stream.linear.gather [hbm4b:s7+s13], $0x280, $0x38;
	v8 =	vshrl.u32 v9, $0x1A;
	v6 =	vadd.s32 $0x2D, v6;
	v3 =	vxor.u32 v3, v2;
	[tilespmem:$0x780] =	vst v63  }
0x8c: {  	s11 =	simm.s32 $0x20;
	s14 =	simm.s32 $0x10;
	_ =	swait.ge [sflag:s8], $0x280;
	v11 =	vshrl.u32 v10, $0x10;
	v12 =	vshrl.u32 v3, $0x6;
	v14 =	vshll.u32 v3, $0x1A  }
0x8d: {  	s10 =	simm.s32 $0x20;
	s9 =	simm.s32 $0x20;
	[sflag:s8] =	ssyncset.done $0x0;
	v11 =	vor.u32 v11, v15;
	v3 =	vadd.s32 v2, v3;
	v2 =	vor.u32 v12, v14  }
0x8e: {  	s7 =	simm.s32 $0x40;
	[sflag:s8] =	ssyncadd.s32 $0xFFFFFD80;
	s8 =	simm.s32 $0x30;
	v12 =	vadd.s32 $0x1BD11BF4, v13;
	v13 =	vshll.u32 v9, $0x6;
	v2 =	vxor.u32 v2, v3  }
.LBB2_1:
0x8f: {  	s18 =	sadd.s32 s17, s1  }
0x90: {  	s9 =	sadd.s32 $0x10, s9;
	v14 =	vshrl.u32 v12, $0x13;
	v15 =	vshll.u32 v12, $0xD;
	v7 =	vadd.s32 v7, v9;
	s19 =	smov.u32 s17;
	s16 =	sadd.s32 $0x10, s17  }
0x91: {  	p0 =	sne.s32 s17, $0x270;
	v5 =	vadd.s32 v5, v10;
	v9 =	vadd.s32 s18, v0;
	v10 =	vadd.s32 $0x1BD11BF0, v7  }
0x92: {  	v1 =	vadd.s32 v12, v1;
	v11 =	vxor.u32 v11, v5;
	v16 =	vshll.u32 v9, $0xD  }
0x93: {  	v12 =	vxor.u32 v9, v16;
	v16 =	vadd.s32 $0x2A, v1;
	v1 =	vor.u32 v8, v13;
	v8 =	vld [tilespmem:s13+$0x0]  }
0x94: {  	v13 =	vshrl.u32 v12, $0x11;
	v17 =	vshll.u32 v12, $0xF;
	v1 =	vxor.u32 v1, v7  }
0x95: {  	v7 =	vadd.s32 v9, v12;
	v9 =	vor.u32 v13, v17;
	v1 =	vadd.s32 $0x5, v1  }
0x96: {  	v12 =	vshrl.u32 v11, $0x8;
	v9 =	vxor.u32 v9, v7;
	v1 =	vxor.u32 v10, v1  }
0x97: {  	v10 =	vshrl.u32 v9, $0x6;
	v13 =	vshll.u32 v9, $0x1A;
	vm0 =	vlt.u32 v1, $0xCCCCE00  }
0x98: {  	v7 =	vadd.s32 v7, v9;
	v1 =	vor.u32 v10, v13;
	v8 =	vsel vm0, $0x0, v8  }
0x99: {  	s17 =	sand.u32 $0x3F0, s15;
	s15 =	smov.u32 s12;
	s12 =	smov.u32 s11;
	v9 =	vxor.u32 v1, v7;
	[tilespmem:s13+$0x0] =	vst v8  }
0x9a: {  	s11 =	smov.u32 s8;
	s8 =	smov.u32 s7;
	s7 =	smov.u32 s19;
	v1 =	vadd.s32 v5, v11;
	v8 =	vshrl.u32 v9, $0x1A;
	v10 =	vshll.u32 v9, $0x6;
	v5 =	vld [tilespmem:s17+$0x500]  }
0x9b: {  	v4 =	vadd.s32 v4, v6;
	s13 =	smov.u32 s14;
	s14 =	smov.u32 s10;
	s10 =	smov.u32 s9;
	v7 =	vadd.s32 v7, v9;
	v8 =	vor.u32 v8, v10;
	v9 =	vld [tilespmem:s17+$0x280]  }
0x9c: {  	v10 =	vshll.u32 v11, $0x18;
	v11 =	vor.u32 v14, v15;
	v8 =	vxor.u32 v8, v7  }
0x9d: {  	v13 =	vshll.u32 v6, $0x11;
	v11 =	vxor.u32 v11, v16;
	v8 =	vadd.s32 $0x1BD11BF1, v8  }
0x9e: {  	v15 =	vadd.s32 v16, v11;
	v7 =	vadd.s32 v8, v7;
	v14 =	vshrl.u32 v8, $0xF  }
0x9f: {  	v8 =	vshll.u32 v8, $0x11;
	v7 =	vadd.s32 $0x2A, v7;
	v5 =	vsel vm0, $0x0, v5  }
0xa0: {  	v6 =	vshrl.u32 v6, $0xF;
	v8 =	vor.u32 v14, v8;
	v9 =	vsel vm0, $0x0, v9;
	[tilespmem:s17+$0x500] =	vst v5  }
0xa1: {  	v6 =	vor.u32 v6, v13;
	v5 =	vxor.u32 v8, v7;
	v8 =	vshrl.u32 v11, $0x11;
	[tilespmem:s17+$0x280] =	vst v9  }
0xa2: {  	v11 =	vshll.u32 v11, $0xF;
	v9 =	vshrl.u32 v5, $0x3;
	v13 =	vshll.u32 v5, $0x1D  }
0xa3: {  	v5 =	vadd.s32 v7, v5;
	v8 =	vor.u32 v8, v11;
	v7 =	vor.u32 v9, v13  }
0xa4: {  	v6 =	vxor.u32 v6, v4;
	v8 =	vxor.u32 v8, v15;
	v7 =	vxor.u32 v7, v5  }
0xa5: {  	v13 =	vshrl.u32 v8, $0x6;
	v9 =	vshrl.u32 v7, $0x10;
	v11 =	vshll.u32 v7, $0x10  }
0xa6: {  	v7 =	vadd.s32 v5, v7;
	v5 =	vor.u32 v9, v11;
	v9 =	vshll.u32 v8, $0x1A  }
0xa7: {  	v11 =	vxor.u32 v5, v7;
	v5 =	vadd.s32 v4, v6;
	v9 =	vor.u32 v13, v9  }
0xa8: {  	v14 =	vshll.u32 v6, $0x1D;
	v4 =	vshrl.u32 v11, $0x8;
	v13 =	vshll.u32 v11, $0x18  }
0xa9: {  	v10 =	vor.u32 v12, v10;
	v7 =	vadd.s32 v7, v11;
	v4 =	vor.u32 v4, v13  }
0xaa: {  	v12 =	vxor.u32 v10, v1;
	v11 =	vxor.u32 v4, v7;
	v4 =	vadd.s32 v3, v2  }
0xab: {  	v10 =	vshrl.u32 v2, $0x1A;
	v2 =	vshll.u32 v2, $0x6;
	v3 =	vadd.s32 $0x2, v11  }
0xac: {  	v11 =	vadd.s32 v3, v7;
	v13 =	vshrl.u32 v3, $0x13;
	v7 =	vadd.s32 v15, v8  }
0xad: {  	v6 =	vshrl.u32 v6, $0x3;
	v3 =	vshll.u32 v3, $0xD;
	v11 =	vadd.s32 $0x1BD11BF0, v11  }
0xae: {  	v2 =	vor.u32 v10, v2;
	v3 =	vor.u32 v13, v3;
	v9 =	vxor.u32 v9, v7  }
0xaf: {  	v2 =	vxor.u32 v2, v4;
	v3 =	vxor.u32 v3, v11;
	v8 =	vshrl.u32 v9, $0x1A  }
0xb0: {  	v6 =	vor.u32 v6, v14;
	v10 =	vshrl.u32 v3, $0x11;
	v13 =	vshll.u32 v3, $0xF  }
.Ltmp0:
0xb1: {  	v3 =	vadd.s32 v11, v3;
	v11 =	vor.u32 v10, v13;
	v10 =	vxor.u32 v6, v5;
	(pc) =	sbr.rel @p0 .LBB2_1-.Ltmp0, $4  }
0xb2: {  	v6 =	vadd.s32 $0x2D, v2;
	v11 =	vxor.u32 v11, v3;
	v2 =	vshrl.u32 v10, $0x10  }
0xb3: {  	v15 =	vshll.u32 v10, $0x10;
	v13 =	vshrl.u32 v11, $0x6;
	v14 =	vshll.u32 v11, $0x1A  }
0xb4: {  	v3 =	vadd.s32 v3, v11;
	v11 =	vor.u32 v2, v15;
	v13 =	vor.u32 v13, v14  }
0xb5: {  	v12 =	vadd.s32 $0x1BD11BF4, v12;
	s17 =	smov.u32 s16;
	v2 =	vxor.u32 v13, v3;
	v13 =	vshll.u32 v9, $0x6  }
0xb6: {  	v0 =	vadd.s32 v7, v9  }
0xb7: {  	v36 =	vor.u32 v8, v13;
	v37 =	vld [tilespmem:s13+$0x0];
	v38 =	vshrl.u32 v12, $0x13;
	v5 =	vadd.s32 v5, v10  }
0xb8: {  	v1 =	vadd.s32 v12, v1;
	v39 =	vshll.u32 v12, $0xD;
	v7 =	vxor.u32 v36, v0  }
0xb9: {  	v4 =	vadd.s32 v4, v6;
	v0 =	vadd.s32 $0x1BD11BF0, v0;
	v7 =	vadd.s32 $0x5, v7  }
0xba: {  	v44 =	vshll.u32 v6, $0x11;
	v47 =	vshrl.u32 v6, $0xF;
	v0 =	vxor.u32 v0, v7  }
0xbb: {  	v3 =	vadd.s32 v3, v2;
	v52 =	vshrl.u32 v2, $0x1A;
	vm0 =	vlt.u32 v0, $0xCCCCE00  }
0xbc: {  	v53 =	vshll.u32 v2, $0x6;
	v40 =	vxor.u32 v11, v5;
	v0 =	vsel vm0, $0x0, v37  }
0xbd: {  	s1 =	sand.u32 $0x3F0, s15;
	v1 =	vadd.s32 $0x2A, v1;
	v2 =	vor.u32 v52, v53;
	[tilespmem:s13+$0x0] =	vst v0;
	v0 =	vor.u32 v38, v39  }
0xbe: {  	v42 =	vshrl.u32 v40, $0x8;
	v5 =	vadd.s32 v5, v40;
	v41 =	vld [tilespmem:s1+$0x500];
	v0 =	vxor.u32 v0, v1  }
0xbf: {  	v8 =	vshll.u32 v40, $0x18;
	v43 =	vld [tilespmem:s1+$0x280];
	v45 =	vshrl.u32 v0, $0x11;
	v46 =	vshll.u32 v0, $0xF  }
0xc0: {  	v2 =	vxor.u32 v2, v3;
	v0 =	vadd.s32 v1, v0;
	v48 =	vor.u32 v45, v46  }
0xc1: {  	v8 =	vor.u32 v42, v8;
	v2 =	vadd.s32 $0x2D, v2;
	v6 =	vxor.u32 v48, v0  }
0xc2: {  	v8 =	vxor.u32 v8, v5;
	v49 =	vshrl.u32 v6, $0x6;
	v50 =	vshll.u32 v6, $0x1A  }
0xc3: {  	v0 =	vadd.s32 v0, v6;
	v9 =	vsel vm0, $0x0, v41;
	v11 =	vor.u32 v49, v50  }
0xc4: {  	v3 =	vadd.s32 v3, v2;
	v7 =	vsel vm0, $0x0, v43;
	[tilespmem:s1+$0x500] =	vst v9;
	v6 =	vxor.u32 v11, v0  }
0xc5: {  	v19 =	vshll.u32 v2, $0x11;
	[tilespmem:s1+$0x280] =	vst v7;
	v54 =	vshrl.u32 v6, $0x1A;
	v55 =	vshll.u32 v6, $0x6  }
0xc6: {  	v2 =	vshrl.u32 v2, $0xF;
	v0 =	vadd.s32 v0, v6;
	v57 =	vld [tilespmem:s14+$0x0];
	v56 =	vor.u32 v54, v55  }
0xc7: {  	v8 =	vadd.s32 $0x1BD11BF4, v8;
	v2 =	vor.u32 v2, v19;
	v6 =	vxor.u32 v56, v0  }
0xc8: {  	v61 =	vshrl.u32 v8, $0x13;
	v0 =	vadd.s32 $0x1BD11BF0, v0;
	v6 =	vadd.s32 $0x5, v6  }
0xc9: {  	v62 =	vshll.u32 v8, $0xD;
	v1 =	vor.u32 v47, v44;
	v0 =	vxor.u32 v0, v6  }
0xca: {  	v5 =	vadd.s32 v8, v5;
	v1 =	vxor.u32 v1, v4;
	vm12 =	vlt.u32 v0, $0xCCCCE00  }
0xcb: {  	v63 =	vadd.s32 $0x2A, v5;
	v4 =	vadd.s32 v4, v1;
	v7 =	vsel vm12, $0x0, v57  }
0xcc: {  	s20 =	sand.u32 $0x3F0, s12;
	v51 =	vshll.u32 v1, $0x1D;
	v1 =	vshrl.u32 v1, $0x3;
	v0 =	vor.u32 v61, v62;
	[tilespmem:s14+$0x0] =	vst v7  }
0xcd: {  	v2 =	vxor.u32 v2, v3;
	v1 =	vor.u32 v1, v51;
	v0 =	vxor.u32 v0, v63;
	v13 =	vld [tilespmem:s20+$0x500]  }
0xce: {  	v1 =	vxor.u32 v1, v4;
	v16 =	vshrl.u32 v0, $0x11;
	v17 =	vshll.u32 v0, $0xF;
	v15 =	vld [tilespmem:s20+$0x280]  }
0xcf: {  	v58 =	vshrl.u32 v1, $0x10;
	v0 =	vadd.s32 v63, v0;
	v18 =	vor.u32 v16, v17  }
0xd0: {  	v59 =	vshll.u32 v1, $0x10;
	v1 =	vadd.s32 v4, v1;
	v4 =	vxor.u32 v18, v0  }
0xd1: {  	v60 =	vor.u32 v58, v59;
	v20 =	vshrl.u32 v4, $0x6;
	v21 =	vshll.u32 v4, $0x1A  }
0xd2: {  	v0 =	vadd.s32 v0, v4;
	v10 =	vor.u32 v20, v21;
	v6 =	vsel vm12, $0x0, v13  }
0xd3: {  	v12 =	vxor.u32 v60, v1;
	v23 =	vxor.u32 v10, v0;
	v22 =	vsel vm12, $0x0, v15;
	[tilespmem:s20+$0x500] =	vst v6  }
0xd4: {  	v14 =	vshrl.u32 v12, $0x8;
	v24 =	vshrl.u32 v23, $0x1A;
	v25 =	vshll.u32 v23, $0x6;
	[tilespmem:s20+$0x280] =	vst v22  }
0xd5: {  	v5 =	vshll.u32 v12, $0x18;
	v0 =	vadd.s32 v0, v23;
	v4 =	vor.u32 v24, v25;
	v26 =	vld [tilespmem:s10+$0x0]  }
0xd6: {  	v1 =	vadd.s32 v1, v12;
	v5 =	vor.u32 v14, v5;
	v4 =	vxor.u32 v4, v0  }
0xd7: {  	v5 =	vxor.u32 v5, v1;
	v0 =	vadd.s32 $0x1BD11BF0, v0;
	v4 =	vadd.s32 $0x5, v4  }
0xd8: {  	v3 =	vadd.s32 v3, v2;
	v5 =	vadd.s32 $0x1BD11BF4, v5;
	v0 =	vxor.u32 v0, v4  }
0xd9: {  	v27 =	vshll.u32 v2, $0x1D;
	v28 =	vshrl.u32 v5, $0x13;
	vm13 =	vlt.u32 v0, $0xCCCCE00  }
0xda: {  	v29 =	vshll.u32 v5, $0xD;
	v1 =	vadd.s32 v5, v1;
	v30 =	vsel vm13, $0x0, v26  }
0xdb: {  	s21 =	sand.u32 $0x3F0, s11;
	v2 =	vshrl.u32 v2, $0x3;
	v1 =	vadd.s32 $0x2A, v1;
	v0 =	vor.u32 v28, v29;
	[tilespmem:s10+$0x0] =	vst v30  }
0xdc: {  	v2 =	vor.u32 v2, v27;
	v0 =	vxor.u32 v0, v1;
	v31 =	vld [tilespmem:s21+$0x500]  }
0xdd: {  	v2 =	vxor.u32 v2, v3;
	v34 =	vshrl.u32 v0, $0x11;
	v35 =	vshll.u32 v0, $0xF;
	v33 =	vld [tilespmem:s21+$0x280]  }
0xde: {  	v32 =	vshrl.u32 v2, $0x10;
	v0 =	vadd.s32 v1, v0;
	v37 =	vor.u32 v34, v35  }
0xdf: {  	v36 =	vshll.u32 v2, $0x10;
	v2 =	vadd.s32 v3, v2;
	v1 =	vxor.u32 v37, v0  }
0xe0: {  	v5 =	vor.u32 v32, v36;
	v38 =	vshrl.u32 v1, $0x6;
	v39 =	vshll.u32 v1, $0x1A  }
0xe1: {  	v0 =	vadd.s32 v0, v1;
	v3 =	vor.u32 v38, v39;
	v4 =	vsel vm13, $0x0, v31  }
0xe2: {  	v40 =	vxor.u32 v5, v2;
	v3 =	vxor.u32 v3, v0;
	v41 =	vsel vm13, $0x0, v33;
	[tilespmem:s21+$0x500] =	vst v4  }
0xe3: {  	s9 =	sadd.s32 $0x10, s9;
	v42 =	vshrl.u32 v40, $0x8;
	v43 =	vshrl.u32 v3, $0x1A;
	v44 =	vshll.u32 v3, $0x6;
	[tilespmem:s21+$0x280] =	vst v41  }
0xe4: {  	v45 =	vshll.u32 v40, $0x18;
	v0 =	vadd.s32 v0, v3;
	v46 =	vor.u32 v43, v44;
	v47 =	vld [tilespmem:s9+$0x0]  }
0xe5: {  	v48 =	vor.u32 v42, v45;
	v1 =	vadd.s32 v2, v40;
	v3 =	vxor.u32 v46, v0  }
0xe6: {  	v2 =	vxor.u32 v48, v1;
	v0 =	vadd.s32 $0x1BD11BF0, v0;
	v3 =	vadd.s32 $0x5, v3  }
0xe7: {  	v2 =	vadd.s32 $0x1BD11BF4, v2;
	v0 =	vxor.u32 v0, v3  }
0xe8: {  	v49 =	vshrl.u32 v2, $0x13;
	vm14 =	vlt.u32 v0, $0xCCCCE00  }
0xe9: {  	v50 =	vshll.u32 v2, $0xD;
	v1 =	vadd.s32 v2, v1;
	v51 =	vsel vm14, $0x0, v47  }
0xea: {  	s22 =	sand.u32 $0x3F0, s8;
	v1 =	vadd.s32 $0x2A, v1;
	v0 =	vor.u32 v49, v50;
	[tilespmem:s9+$0x0] =	vst v51  }
0xeb: {  	v0 =	vxor.u32 v0, v1;
	v2 =	vld [tilespmem:s22+$0x500]  }
0xec: {  	v53 =	vshrl.u32 v0, $0x11;
	v54 =	vshll.u32 v0, $0xF;
	v52 =	vld [tilespmem:s22+$0x280]  }
0xed: {  	v0 =	vadd.s32 v1, v0;
	v55 =	vor.u32 v53, v54  }
0xee: {  	v1 =	vxor.u32 v55, v0  }
0xef: {  	v56 =	vshrl.u32 v1, $0x6;
	v57 =	vshll.u32 v1, $0x1A  }
0xf0: {  	v0 =	vadd.s32 v0, v1;
	v4 =	vor.u32 v56, v57;
	v2 =	vsel vm14, $0x0, v2  }
0xf1: {  	v59 =	vxor.u32 v4, v0;
	v58 =	vsel vm14, $0x0, v52;
	[tilespmem:s22+$0x500] =	vst v2  }
0xf2: {  	s23 =	sadd.s32 $0x10, s9;
	v60 =	vshrl.u32 v59, $0x1A;
	v61 =	vshll.u32 v59, $0x6;
	[tilespmem:s22+$0x280] =	vst v58  }
0xf3: {  	v0 =	vadd.s32 v0, v59;
	v1 =	vor.u32 v60, v61;
	v62 =	vld [tilespmem:s23+$0x0]  }
0xf4: {  	v1 =	vxor.u32 v1, v0  }
0xf5: {  	v0 =	vadd.s32 $0x1BD11BF0, v0;
	v1 =	vadd.s32 $0x5, v1  }
0xf6: {  	v0 =	vxor.u32 v0, v1  }
0xf7: {  	vm15 =	vlt.u32 v0, $0xCCCCE00  }
0xf8: {  	v0 =	vsel vm15, $0x0, v62  }
0xf9: {  	s24 =	sand.u32 $0x3F0, s7;
	[tilespmem:s23+$0x0] =	vst v0  }
0xfa: {  	v0 =	vld [tilespmem:s24+$0x500]  }
0xfb: {  	v63 =	vld [tilespmem:s24+$0x280];
	_ =	sdelay $0x3  }
0xfc: {  	v0 =	vsel vm15, $0x0, v0  }
0xfd: {  	v1 =	vsel vm15, $0x0, v63;
	[tilespmem:s24+$0x500] =	vst v0  }
0xfe: {  	s25 =	sadd.s32 s3, s4;
	s26 =	simm.s32 $0x0;
	s28 =	simm.s32 $0x1;
	[tilespmem:s24+$0x280] =	vst v1  }
0xff: {  	[hbm4b:s25+s26] =	stream.linear.scatter [tilespmem:s26], [sflag:$0x1], $0x280, $0x38;
	[tilespmem:$0x780] =	vst v63  }
0x100: {  	_ =	swait.ge [sflag:s28], $0x280  }
0x101: {  	[sflag:s28] =	ssyncset.done $0x0  }
0x102: {  	s5 =	sadd.s32 s3, s5;
	s29 =	simm.s32 $0x280;
	[sflag:s28] =	ssyncadd.s32 $0xFFFFFD80  }
0x103: {  	[hbm4b:s5+s26] =	stream.linear.scatter [tilespmem:s29], [sflag:$0x1], $0x280, $0x38;
	[tilespmem:$0x780] =	vst v63  }
0x104: {  	_ =	swait.ge [sflag:s28], $0x280  }
0x105: {  	[sflag:s28] =	ssyncset.done $0x0  }
0x106: {  	s30 =	sadd.s32 s3, s6;
	s31 =	simm.s32 $0x500;
	[sflag:s28] =	ssyncadd.s32 $0xFFFFFD80  }
0x107: {  	[hbm4b:s30+s26] =	stream.linear.scatter [tilespmem:s31], [sflag:$0x1], $0x280, $0x38;
	[tilespmem:$0x780] =	vst v63  }
0x108: {  	_ =	swait.ge [sflag:s28], $0x280  }
0x109: {  	[sflag:s28] =	ssyncset.done $0x0  }
0x10a: {  	[sflag:s28] =	ssyncadd.s32 $0xFFFFFD80  }
0x10b: {  	_ =	sfence.sel $0x180000  }
0x10c: {  	[bflag:$0x0] =	sbarrier.arrive $0xFFFF  }
0x10d: {  	p0 =	sne.s32 s0, $0x0;
	_ =	strace $0x90000047  }
0x10e: {  	s0 =	sadd.s32 @!p0 $0x100000, s2;
	[bflag:$0x2] =	sbarrier.arrive $0xFFFF  }
0x10f: {  	[sflag:s0] =	ssyncadd.tile.s32 @!p0 $0x1;
	_ =	shalt  }
.Lfunc_end2:
_tile_overlayer_lowered:
.L_overlay_start_2:
0x110: {  	(tag) =	ssettag $0x2  }
0x111: {  	s0 =	rddreg [dreg:$0x0];
	s2 =	stileid.u32  }
0x112: {  	s1 =	rddreg [dreg:$0x1];
	p0 =	sne.s32 s2, $0x0  }
0x113: {  	s3 =	rddreg [dreg:$0x2];
	[bflag:$0x3] =	sbarrier.arrive $0xFFFF;
	s2 =	simm.s32 @!p0 $0x1C01  }
0x114: {  	[timem:s3], [sflag:s2] =	dma.local @!p0 [hbm:s0], s1  }
0x115: {  	s0 =	simm.s32 @!p0 $0x1  }
0x116: {  	_ =	swait.ge @!p0 [sflag:s0], s1  }
0x117: {  	s1 =	ssub.s32 @!p0 $0x0, s1;
	[sflag:s0] =	ssyncset.done @!p0 $0x0  }
0x118: {  	[sflag:s0] =	ssyncadd.s32 @!p0 s1  }
0x119: {  	[bflag:$0x3] =	sbarrier.arrive $0xFFFF  }
0x11a: {  	_ =	shalt  }

</sc_bundles>
